<compile_context>
chip_gen: v7x
topology: tpu7x:2x2x1
jax: 0.10.2.dev20260603
libtpu: 0.0.44.dev20260713+nightly
codegen_flags: <defaults>
</compile_context>

<pallas_src>
import functools

import jax
import jax.numpy as jnp
from jax import lax
from jax.experimental import pallas as pl
from jax.experimental.pallas import tpu as pltpu
from jax.experimental.pallas import tpu_sc as plsc

T, H, I2, E, K = 32, 768, 1536, 64, 2
I = I2 // 2
S = K * T
NBUF = 3
L = 16
NC = 2


def _sc_router_body(logits_hbm, val_out, idx_out, lv, fv, iv_):
    wid = lax.axis_index("s") * NC + lax.axis_index("c")
    pltpu.sync_copy(logits_hbm.at[wid], lv)

    iota = lax.iota(jnp.int32, L)
    m = lv[pl.ds(0, L)]
    im = iota
    s = jnp.full((L,), -jnp.inf, jnp.float32)
    is_ = jnp.zeros((L,), jnp.int32)
    for j in range(1, E // L):
        v = lv[pl.ds(L * j, L)]
        iv = L * j + iota
        ge = m >= v
        loser = jnp.where(ge, v, m)
        il = jnp.where(ge, iv, im)
        m = jnp.where(ge, m, v)
        im = jnp.where(ge, im, iv)
        ge2 = (loser > s) | ((loser == s) & (il < is_))
        s = jnp.where(ge2, loser, s)
        is_ = jnp.where(ge2, il, is_)

    fv[pl.ds(0, L)] = m
    fv[pl.ds(L, L)] = s
    iv_[pl.ds(0, L)] = im
    iv_[pl.ds(L, L)] = is_
    pltpu.sync_copy(fv, val_out.at[wid])
    pltpu.sync_copy(iv_, idx_out.at[wid])


_sc_router = functools.partial(
    pl.kernel,
    out_type=(
        jax.ShapeDtypeStruct((T, 2 * L), jnp.float32),
        jax.ShapeDtypeStruct((T, 2 * L), jnp.int32),
    ),
    mesh=plsc.VectorSubcoreMesh(core_axis_name="c", subcore_axis_name="s"),
    scratch_types=[
        pltpu.VMEM((E,), jnp.float32),
        pltpu.VMEM((2 * L,), jnp.float32),
        pltpu.VMEM((2 * L,), jnp.int32),
    ],
)(_sc_router_body)


def _row_of(col, n):
    i = jax.lax.broadcasted_iota(jnp.int32, (n, n), 0)
    j = jax.lax.broadcasted_iota(jnp.int32, (n, n), 1)
    b = jnp.broadcast_to(col, (n, n))
    return jnp.sum(jnp.where(i == j, b, jnp.zeros_like(b)), axis=0,
                   keepdims=True)


def _moe_body(val_ref, idx_ref, x_ref, gup_ref, dnp_ref, out_ref,
              wv, uv, nv, us, ns, gbuf, dbuf, ssem, nsem, gsem, dsem):
    vals = val_ref[...]
    idxs = idx_ref[...]
    m = vals[:, :L]
    im = idxs[:, :L]
    s = vals[:, L:]
    is_ = idxs[:, L:]
    m1v = jnp.max(m, axis=1, keepdims=True)
    i1 = jnp.min(jnp.where(m == m1v, im, E), axis=1, keepdims=True)
    chosen = im == i1
    cand = jnp.where(chosen, s, m)
    icand = jnp.where(chosen, is_, im)
    m2v = jnp.max(cand, axis=1, keepdims=True)
    i2 = jnp.min(jnp.where(cand == m2v, icand, E), axis=1, keepdims=True)
    e2 = jnp.exp(m2v - m1v)
    w1 = 1.0 / (1.0 + e2)
    w2 = 1.0 - w1

    e_col = jnp.concatenate([i1, i2], axis=0)
    e_row = _row_of(e_col, S)
    s_col = jax.lax.broadcasted_iota(jnp.int32, (S, S), 0)
    s_row = jax.lax.broadcasted_iota(jnp.int32, (S, S), 1)
    e_colb = jnp.broadcast_to(e_col, (S, S))
    e_rowb = jnp.broadcast_to(e_row, (S, S))
    same = e_rowb == e_colb
    dup_cnt = jnp.sum((same & (s_row < s_col)).astype(jnp.int32), axis=1,
                      keepdims=True)
    first = (dup_cnt == 0).astype(jnp.int32)
    firstb = jnp.broadcast_to(_row_of(first, S), (S, S))
    d = jnp.sum(((firstb == 1) & (e_rowb < e_colb)).astype(jnp.int32),
                axis=1, keepdims=True)
    j_row = jax.lax.broadcasted_iota(jnp.int32, (S, S), 1)
    put = (jnp.broadcast_to(d, (S, S)) == j_row) & (
        jnp.broadcast_to(first, (S, S)) == 1)
    uv[...] = jnp.sum(jnp.where(put, e_colb, jnp.zeros_like(e_colb)),
                      axis=0, keepdims=True)
    nv[...] = jnp.sum(first, keepdims=True)

    pltpu.make_async_copy(uv, us, ssem).start()
    pltpu.make_async_copy(nv, ns, nsem).start()
    pltpu.make_async_copy(uv, us, ssem).wait()
    pltpu.make_async_copy(nv, ns, nsem).wait()

    nu = ns[0, 0]

    def start_copy(u, slot):
        e = us[0, u]
        pltpu.make_async_copy(gup_ref.at[pl.ds(e, 1)],
                              gbuf.at[pl.ds(slot, 1)], gsem.at[slot]).start()
        pltpu.make_async_copy(dnp_ref.at[pl.ds(e, 1)],
                              dbuf.at[pl.ds(slot, 1)], dsem.at[slot]).start()

    for b in range(NBUF - 1):
        @pl.when(b < nu)
        def _pro():
            start_copy(b, b)

    i1r = jnp.broadcast_to(_row_of(i1, T), (E, T))
    i2r = jnp.broadcast_to(_row_of(i2, T), (E, T))
    w1r = jnp.broadcast_to(_row_of(w1, T), (E, T))
    w2r = jnp.broadcast_to(_row_of(w2, T), (E, T))
    e_iota = jax.lax.broadcasted_iota(jnp.int32, (E, T), 0)
    zero = jnp.zeros((E, T), jnp.float32)
    wv[...] = (jnp.where(e_iota == i1r, w1r, zero)
               + jnp.where(e_iota == i2r, w2r, zero))

    out_ref[...] = jnp.zeros_like(out_ref)

    def body(u, _):
        nxt = u + NBUF - 1

        @pl.when(nxt < nu)
        def _issue():
            start_copy(nxt, jax.lax.rem(nxt, NBUF))

        slot = jax.lax.rem(u, NBUF)
        e = us[0, u]
        pltpu.make_async_copy(gup_ref.at[pl.ds(e, 1)],
                              gbuf.at[pl.ds(slot, 1)], gsem.at[slot]).wait()
        pltpu.make_async_copy(dnp_ref.at[pl.ds(e, 1)],
                              dbuf.at[pl.ds(slot, 1)], dsem.at[slot]).wait()

        g = gbuf[slot]
        gu = jax.lax.dot_general(
            x_ref[...], g, (((1,), (1,)), ((), ())),
            preferred_element_type=jnp.float32)
        gate = gu[:, :I]
        up = gu[:, I:]
        act = gate * jax.nn.sigmoid(gate) * up
        dn = dbuf[slot]
        eo = jax.lax.dot_general(
            act, dn, (((1,), (1,)), ((), ())),
            preferred_element_type=jnp.float32)
        wrow = wv[pl.ds(e, 1), :]
        wcol = _col_of(wrow, T)
        out_ref[...] += wcol * eo
        return 0

    jax.lax.fori_loop(0, nu, body, 0)


def _col_of(row, n):
    i = jax.lax.broadcasted_iota(jnp.int32, (n, n), 0)
    j = jax.lax.broadcasted_iota(jnp.int32, (n, n), 1)
    b = jnp.broadcast_to(row, (n, n))
    return jnp.sum(jnp.where(i == j, b, jnp.zeros_like(b)), axis=1,
                   keepdims=True)


@jax.jit
def _fused_moe(x, router_logits, gate_up_proj, down_proj):
    scvals, scidxs = _sc_router(router_logits)
    return pl.pallas_call(
        _moe_body,
        in_specs=[
            pl.BlockSpec(memory_space=pltpu.VMEM),
            pl.BlockSpec(memory_space=pltpu.VMEM),
            pl.BlockSpec(memory_space=pltpu.VMEM),
            pl.BlockSpec(memory_space=pl.ANY),
            pl.BlockSpec(memory_space=pl.ANY),
        ],
        out_specs=pl.BlockSpec(memory_space=pltpu.VMEM),
        out_shape=jax.ShapeDtypeStruct((T, H), jnp.float32),
        scratch_shapes=[
            pltpu.VMEM((E, T), jnp.float32),
            pltpu.VMEM((1, S), jnp.int32),
            pltpu.VMEM((1, 1), jnp.int32),
            pltpu.SMEM((1, S), jnp.int32),
            pltpu.SMEM((1, 1), jnp.int32),
            pltpu.VMEM((NBUF, I2, H), jnp.float32),
            pltpu.VMEM((NBUF, H, I), jnp.float32),
            pltpu.SemaphoreType.DMA,
            pltpu.SemaphoreType.DMA,
            pltpu.SemaphoreType.DMA((NBUF,)),
            pltpu.SemaphoreType.DMA((NBUF,)),
        ],
        compiler_params=pltpu.CompilerParams(
            vmem_limit_bytes=100 * 1024 * 1024),
    )(scvals, scidxs, x, gate_up_proj, down_proj)


def kernel(x, router_logits, gate_up_proj, down_proj, top_k):
    del top_k
    return _fused_moe(x, router_logits, gate_up_proj, down_proj).astype(x.dtype)

# --- scband reference (transcript-rebuilt; emitter-appended) ---
"""Pipeline reference for scband-fused-mo-emethod-77129022701987 (READ-ONLY COPY).

The authoritative reference and input builder live on the scoring server;
editing this copy changes nothing except your own understanding.
"""

import jax, jax.numpy as jnp
import numpy as np


def setup_inputs(seed: int = 0) -> dict:
    key = jax.random.key(seed)
    k0, k1, k2, k3 = jax.random.split(key, 4)
    T, H, I, E = 32, 768, 768, 64
    x = jax.random.normal(k0, (T, H), dtype=jnp.float32)
    router_logits = jax.random.normal(k1, (T, E), dtype=jnp.float32)
    gate_up_proj = jax.random.normal(k2, (E, 2 * I, H), dtype=jnp.float32) * 0.02
    down_proj = jax.random.normal(k3, (E, H, I), dtype=jnp.float32) * 0.02
    return {
        "x": x,
        "router_logits": router_logits,
        "gate_up_proj": gate_up_proj,
        "down_proj": down_proj,
        "top_k": 2,
    }


def reference(x, router_logits, gate_up_proj, down_proj, top_k):
    # fused_moe: softmax gating -> top-k expert selection -> renormalize ->
    # per-token expert MLP (gate_up matmul, SiLU-gated, down matmul) -> weighted combine.
    probs = jax.nn.softmax(router_logits.astype(jnp.float32), axis=-1)
    K = 2
    topk_w, topk_idx = jax.lax.top_k(probs, K)  # [T, K]
    topk_w = topk_w + (jnp.asarray(top_k) - jnp.asarray(top_k)).astype(topk_w.dtype)
    topk_w = topk_w / jnp.sum(topk_w, axis=-1, keepdims=True)  # renormalize=True
    # Gather selected expert weights (memory-bound gather of large weight tensors)
    w1 = jnp.take(gate_up_proj, topk_idx, axis=0)  # [T, K, 2I, H]
    w2 = jnp.take(down_proj, topk_idx, axis=0)     # [T, K, H, I]
    gu = jnp.einsum('tkoh,th->tko', w1, x)         # [T, K, 2I]
    I = gu.shape[-1] // 2
    gate = gu[..., :I]
    up = gu[..., I:]
    act = jax.nn.silu(gate) * up                   # activation='silu'
    expert_out = jnp.einsum('tkhi,tki->tkh', w2, act)  # [T, K, H]
    out = jnp.sum(expert_out * topk_w[..., None], axis=1)  # combine
    return out.astype(x.dtype)

if __name__ == "__main__":
    import jax
    _d = setup_inputs()
    print(jax.jit(kernel)(*tuple(_d.values())))

</pallas_src>

<mosaic_0001>
#map = affine_map<(d0, d1) -> (0, 0)>
module attributes {stable_mosaic.version = 14 : i64} {
  func.func @_sc_router_body(%arg0: i32, %arg1: i32, %arg2: memref<32x64xf32, #tpu.memory_space<hbm>>, %arg3: memref<32x32xf32, #tpu.memory_space<hbm>>, %arg4: memref<32x32xi32, #tpu.memory_space<hbm>>, %arg5: memref<64xf32, #tpu.memory_space<vmem>>, %arg6: memref<32xf32, #tpu.memory_space<vmem>>, %arg7: memref<32xi32, #tpu.memory_space<vmem>>) attributes {dimension_semantics = [#tpu.dimension_semantics<core_parallel>, #tpu.dimension_semantics<subcore_parallel>], iteration_bounds = array<i64: 2, 16>, scalar_prefetch = 0 : i64, scratch_operands = 3 : i64, tpu.core_type = #tpu.core_type<sc_vector_subcore>, window_params = [{transform_indices = #map}, {transform_indices = #map}, {transform_indices = #map}]} {
    %mul3A = arith.constant 2 : i32
    %mul3A_0 = arith.muli %arg1, %mul3A : i32
    %add3A = arith.addi %mul3A_0, %arg0 : i32
    "tpu.region"() ({
      %run_scoped3A = tpu.sem_alloc : memref<!tpu.dma_semaphore, #tpu.memory_space<semaphore_mem>>
      %dma_start3A = arith.constant 0 : i32
      %dma_start3A_68 = tpu.memref_slice %arg2[%add3A, %dma_start3A] : memref<32x64xf32, #tpu.memory_space<hbm>> -> memref<1x64xf32, #tpu.memory_space<hbm>>
      %dma_start3A_69 = tpu.memref_squeeze %dma_start3A_68 : memref<1x64xf32, #tpu.memory_space<hbm>> -> memref<64xf32, #tpu.memory_space<hbm>>
      %dma_start3A_70 = arith.constant 0 : i32
      %dma_start3A_71 = tpu.memref_slice %arg2[%add3A, %dma_start3A_70] : memref<32x64xf32, #tpu.memory_space<hbm>> -> memref<1x64xf32, #tpu.memory_space<hbm>>
      %dma_start3A_72 = tpu.memref_squeeze %dma_start3A_71 : memref<1x64xf32, #tpu.memory_space<hbm>> -> memref<64xf32, #tpu.memory_space<hbm>>
      tpu.enqueue_dma source(%dma_start3A_72 : memref<64xf32, #tpu.memory_space<hbm>>) target(%arg5 : memref<64xf32, #tpu.memory_space<vmem>>) target_semaphore(%run_scoped3A : memref<!tpu.dma_semaphore, #tpu.memory_space<semaphore_mem>>)
      %dma_wait3A = arith.constant 0 : i32
      %dma_wait3A_73 = tpu.memref_slice %arg2[%add3A, %dma_wait3A] : memref<32x64xf32, #tpu.memory_space<hbm>> -> memref<1x64xf32, #tpu.memory_space<hbm>>
      %dma_wait3A_74 = tpu.memref_squeeze %dma_wait3A_73 : memref<1x64xf32, #tpu.memory_space<hbm>> -> memref<64xf32, #tpu.memory_space<hbm>>
      %dma_wait3A_75 = arith.constant 0 : i32
      %dma_wait3A_76 = tpu.memref_slice %arg2[%add3A, %dma_wait3A_75] : memref<32x64xf32, #tpu.memory_space<hbm>> -> memref<1x64xf32, #tpu.memory_space<hbm>>
      %dma_wait3A_77 = tpu.memref_squeeze %dma_wait3A_76 : memref<1x64xf32, #tpu.memory_space<hbm>> -> memref<64xf32, #tpu.memory_space<hbm>>
      tpu.wait_dma2 semaphore(%run_scoped3A : memref<!tpu.dma_semaphore, #tpu.memory_space<semaphore_mem>>) src(%dma_wait3A_77 : memref<64xf32, #tpu.memory_space<hbm>>) dst(%arg5 : memref<64xf32, #tpu.memory_space<vmem>>)
      tpu.yield
    }) : () -> ()
    %iota3A = tpu.iota {dimensions = array<i32: 0>} : vector<16xi32>
    %get3A = arith.constant 0 : index
    %get3A_1 = tpu.vector_load %arg5[%get3A] {strides = array<i32>} : memref<64xf32, #tpu.memory_space<vmem>>, vector<16xf32>,
    %get3A_2 = vector.shape_cast %get3A_1 : vector<16xf32> to vector<16xf32>
    %broadcast_in_dim3A = arith.constant 0xFF800000 : f32
    %broadcast_in_dim3A_3 = vector.broadcast %broadcast_in_dim3A : f32 to vector<16xf32>
    %broadcast_in_dim3A_4 = arith.constant 0 : i32
    %broadcast_in_dim3A_5 = vector.broadcast %broadcast_in_dim3A_4 : i32 to vector<16xi32>
    %get3A_6 = arith.constant 16 : index
    %get3A_7 = tpu.vector_load %arg5[%get3A_6] {strides = array<i32>} : memref<64xf32, #tpu.memory_space<vmem>>, vector<16xf32>,
    %get3A_8 = vector.shape_cast %get3A_7 : vector<16xf32> to vector<16xf32>
    %add3A_9 = arith.constant 16 : i32
    %add3A_10 = vector.broadcast %add3A_9 : i32 to vector<16xi32>
    %add3A_11 = arith.addi %add3A_10, %iota3A : vector<16xi32>
    %ge3A = arith.cmpf oge, %get3A_2, %get3A_8 : vector<16xf32>
    %select_n3A = arith.select %ge3A, %get3A_8, %get3A_2 : vector<16xi1>, vector<16xf32>
    %select_n3A_12 = arith.select %ge3A, %add3A_11, %iota3A : vector<16xi1>, vector<16xi32>
    %select_n3A_13 = arith.select %ge3A, %get3A_2, %get3A_8 : vector<16xi1>, vector<16xf32>
    %select_n3A_14 = arith.select %ge3A, %iota3A, %add3A_11 : vector<16xi1>, vector<16xi32>
    %gt3A = arith.cmpf ogt, %select_n3A, %broadcast_in_dim3A_3 : vector<16xf32>
    %eq3A = arith.cmpf oeq, %select_n3A, %broadcast_in_dim3A_3 : vector<16xf32>
    %lt3A = arith.cmpi slt, %select_n3A_12, %broadcast_in_dim3A_5 : vector<16xi32>
    %and3A = arith.andi %eq3A, %lt3A : vector<16xi1>
    %or3A = arith.ori %gt3A, %and3A : vector<16xi1>
    %select_n3A_15 = arith.select %or3A, %select_n3A, %broadcast_in_dim3A_3 : vector<16xi1>, vector<16xf32>
    %select_n3A_16 = arith.select %or3A, %select_n3A_12, %broadcast_in_dim3A_5 : vector<16xi1>, vector<16xi32>
    %get3A_17 = arith.constant 32 : index
    %get3A_18 = tpu.vector_load %arg5[%get3A_17] {strides = array<i32>} : memref<64xf32, #tpu.memory_space<vmem>>, vector<16xf32>,
    %get3A_19 = vector.shape_cast %get3A_18 : vector<16xf32> to vector<16xf32>
    %add3A_20 = arith.constant 32 : i32
    %add3A_21 = vector.broadcast %add3A_20 : i32 to vector<16xi32>
    %add3A_22 = arith.addi %add3A_21, %iota3A : vector<16xi32>
    %ge3A_23 = arith.cmpf oge, %select_n3A_13, %get3A_19 : vector<16xf32>
    %select_n3A_24 = arith.select %ge3A_23, %get3A_19, %select_n3A_13 : vector<16xi1>, vector<16xf32>
    %select_n3A_25 = arith.select %ge3A_23, %add3A_22, %select_n3A_14 : vector<16xi1>, vector<16xi32>
    %select_n3A_26 = arith.select %ge3A_23, %select_n3A_13, %get3A_19 : vector<16xi1>, vector<16xf32>
    %select_n3A_27 = arith.select %ge3A_23, %select_n3A_14, %add3A_22 : vector<16xi1>, vector<16xi32>
    %gt3A_28 = arith.cmpf ogt, %select_n3A_24, %select_n3A_15 : vector<16xf32>
    %eq3A_29 = arith.cmpf oeq, %select_n3A_24, %select_n3A_15 : vector<16xf32>
    %lt3A_30 = arith.cmpi slt, %select_n3A_25, %select_n3A_16 : vector<16xi32>
    %and3A_31 = arith.andi %eq3A_29, %lt3A_30 : vector<16xi1>
    %or3A_32 = arith.ori %gt3A_28, %and3A_31 : vector<16xi1>
    %select_n3A_33 = arith.select %or3A_32, %select_n3A_24, %select_n3A_15 : vector<16xi1>, vector<16xf32>
    %select_n3A_34 = arith.select %or3A_32, %select_n3A_25, %select_n3A_16 : vector<16xi1>, vector<16xi32>
    %get3A_35 = arith.constant 48 : index
    %get3A_36 = tpu.vector_load %arg5[%get3A_35] {strides = array<i32>} : memref<64xf32, #tpu.memory_space<vmem>>, vector<16xf32>,
    %get3A_37 = vector.shape_cast %get3A_36 : vector<16xf32> to vector<16xf32>
    %add3A_38 = arith.constant 48 : i32
    %add3A_39 = vector.broadcast %add3A_38 : i32 to vector<16xi32>
    %add3A_40 = arith.addi %add3A_39, %iota3A : vector<16xi32>
    %ge3A_41 = arith.cmpf oge, %select_n3A_26, %get3A_37 : vector<16xf32>
    %select_n3A_42 = arith.select %ge3A_41, %get3A_37, %select_n3A_26 : vector<16xi1>, vector<16xf32>
    %select_n3A_43 = arith.select %ge3A_41, %add3A_40, %select_n3A_27 : vector<16xi1>, vector<16xi32>
    %select_n3A_44 = arith.select %ge3A_41, %select_n3A_26, %get3A_37 : vector<16xi1>, vector<16xf32>
    %select_n3A_45 = arith.select %ge3A_41, %select_n3A_27, %add3A_40 : vector<16xi1>, vector<16xi32>
    %gt3A_46 = arith.cmpf ogt, %select_n3A_42, %select_n3A_33 : vector<16xf32>
    %eq3A_47 = arith.cmpf oeq, %select_n3A_42, %select_n3A_33 : vector<16xf32>
    %lt3A_48 = arith.cmpi slt, %select_n3A_43, %select_n3A_34 : vector<16xi32>
    %and3A_49 = arith.andi %eq3A_47, %lt3A_48 : vector<16xi1>
    %or3A_50 = arith.ori %gt3A_46, %and3A_49 : vector<16xi1>
    %select_n3A_51 = arith.select %or3A_50, %select_n3A_42, %select_n3A_33 : vector<16xi1>, vector<16xf32>
    %select_n3A_52 = arith.select %or3A_50, %select_n3A_43, %select_n3A_34 : vector<16xi1>, vector<16xi32>
    %swap3A = arith.constant 0 : index
    %swap3A_53 = tpu.vector_load %arg6[%swap3A] {strides = array<i32>} : memref<32xf32, #tpu.memory_space<vmem>>, vector<16xf32>,
    %swap3A_54 = vector.shape_cast %swap3A_53 : vector<16xf32> to vector<16xf32>
    %swap3A_55 = vector.shape_cast %select_n3A_44 : vector<16xf32> to vector<16xf32>
    tpu.vector_store %arg6[%swap3A], %swap3A_55 {strides = array<i32>} : memref<32xf32, #tpu.memory_space<vmem>>, vector<16xf32>,
    %swap3A_56 = arith.constant 16 : index
    %swap3A_57 = tpu.vector_load %arg6[%swap3A_56] {strides = array<i32>} : memref<32xf32, #tpu.memory_space<vmem>>, vector<16xf32>,
    %swap3A_58 = vector.shape_cast %swap3A_57 : vector<16xf32> to vector<16xf32>
    %swap3A_59 = vector.shape_cast %select_n3A_51 : vector<16xf32> to vector<16xf32>
    tpu.vector_store %arg6[%swap3A_56], %swap3A_59 {strides = array<i32>} : memref<32xf32, #tpu.memory_space<vmem>>, vector<16xf32>,
    %swap3A_60 = arith.constant 0 : index
    %swap3A_61 = tpu.vector_load %arg7[%swap3A_60] {strides = array<i32>} : memref<32xi32, #tpu.memory_space<vmem>>, vector<16xi32>,
    %swap3A_62 = vector.shape_cast %swap3A_61 : vector<16xi32> to vector<16xi32>
    %swap3A_63 = vector.shape_cast %select_n3A_45 : vector<16xi32> to vector<16xi32>
    tpu.vector_store %arg7[%swap3A_60], %swap3A_63 {strides = array<i32>} : memref<32xi32, #tpu.memory_space<vmem>>, vector<16xi32>,
    %swap3A_64 = arith.constant 16 : index
    %swap3A_65 = tpu.vector_load %arg7[%swap3A_64] {strides = array<i32>} : memref<32xi32, #tpu.memory_space<vmem>>, vector<16xi32>,
    %swap3A_66 = vector.shape_cast %swap3A_65 : vector<16xi32> to vector<16xi32>
    %swap3A_67 = vector.shape_cast %select_n3A_52 : vector<16xi32> to vector<16xi32>
    tpu.vector_store %arg7[%swap3A_64], %swap3A_67 {strides = array<i32>} : memref<32xi32, #tpu.memory_space<vmem>>, vector<16xi32>,
    "tpu.region"() ({
      %run_scoped3A = tpu.sem_alloc : memref<!tpu.dma_semaphore, #tpu.memory_space<semaphore_mem>>
      %dma_start3A = arith.constant 0 : i32
      %dma_start3A_68 = tpu.memref_slice %arg3[%add3A, %dma_start3A] : memref<32x32xf32, #tpu.memory_space<hbm>> -> memref<1x32xf32, #tpu.memory_space<hbm>>
      %dma_start3A_69 = tpu.memref_squeeze %dma_start3A_68 : memref<1x32xf32, #tpu.memory_space<hbm>> -> memref<32xf32, #tpu.memory_space<hbm>>
      %dma_start3A_70 = arith.constant 0 : i32
      %dma_start3A_71 = tpu.memref_slice %arg3[%add3A, %dma_start3A_70] : memref<32x32xf32, #tpu.memory_space<hbm>> -> memref<1x32xf32, #tpu.memory_space<hbm>>
      %dma_start3A_72 = tpu.memref_squeeze %dma_start3A_71 : memref<1x32xf32, #tpu.memory_space<hbm>> -> memref<32xf32, #tpu.memory_space<hbm>>
      tpu.enqueue_dma source(%arg6 : memref<32xf32, #tpu.memory_space<vmem>>) target(%dma_start3A_72 : memref<32xf32, #tpu.memory_space<hbm>>) target_semaphore(%run_scoped3A : memref<!tpu.dma_semaphore, #tpu.memory_space<semaphore_mem>>)
      %dma_wait3A = arith.constant 0 : i32
      %dma_wait3A_73 = tpu.memref_slice %arg3[%add3A, %dma_wait3A] : memref<32x32xf32, #tpu.memory_space<hbm>> -> memref<1x32xf32, #tpu.memory_space<hbm>>
      %dma_wait3A_74 = tpu.memref_squeeze %dma_wait3A_73 : memref<1x32xf32, #tpu.memory_space<hbm>> -> memref<32xf32, #tpu.memory_space<hbm>>
      %dma_wait3A_75 = arith.constant 0 : i32
      %dma_wait3A_76 = tpu.memref_slice %arg3[%add3A, %dma_wait3A_75] : memref<32x32xf32, #tpu.memory_space<hbm>> -> memref<1x32xf32, #tpu.memory_space<hbm>>
      %dma_wait3A_77 = tpu.memref_squeeze %dma_wait3A_76 : memref<1x32xf32, #tpu.memory_space<hbm>> -> memref<32xf32, #tpu.memory_space<hbm>>
      tpu.wait_dma2 semaphore(%run_scoped3A : memref<!tpu.dma_semaphore, #tpu.memory_space<semaphore_mem>>) src(%arg6 : memref<32xf32, #tpu.memory_space<vmem>>) dst(%dma_wait3A_77 : memref<32xf32, #tpu.memory_space<hbm>>)
      tpu.yield
    }) : () -> ()
    "tpu.region"() ({
      %run_scoped3A = tpu.sem_alloc : memref<!tpu.dma_semaphore, #tpu.memory_space<semaphore_mem>>
      %dma_start3A = arith.constant 0 : i32
      %dma_start3A_68 = tpu.memref_slice %arg4[%add3A, %dma_start3A] : memref<32x32xi32, #tpu.memory_space<hbm>> -> memref<1x32xi32, #tpu.memory_space<hbm>>
      %dma_start3A_69 = tpu.memref_squeeze %dma_start3A_68 : memref<1x32xi32, #tpu.memory_space<hbm>> -> memref<32xi32, #tpu.memory_space<hbm>>
      %dma_start3A_70 = arith.constant 0 : i32
      %dma_start3A_71 = tpu.memref_slice %arg4[%add3A, %dma_start3A_70] : memref<32x32xi32, #tpu.memory_space<hbm>> -> memref<1x32xi32, #tpu.memory_space<hbm>>
      %dma_start3A_72 = tpu.memref_squeeze %dma_start3A_71 : memref<1x32xi32, #tpu.memory_space<hbm>> -> memref<32xi32, #tpu.memory_space<hbm>>
      tpu.enqueue_dma source(%arg7 : memref<32xi32, #tpu.memory_space<vmem>>) target(%dma_start3A_72 : memref<32xi32, #tpu.memory_space<hbm>>) target_semaphore(%run_scoped3A : memref<!tpu.dma_semaphore, #tpu.memory_space<semaphore_mem>>)
      %dma_wait3A = arith.constant 0 : i32
      %dma_wait3A_73 = tpu.memref_slice %arg4[%add3A, %dma_wait3A] : memref<32x32xi32, #tpu.memory_space<hbm>> -> memref<1x32xi32, #tpu.memory_space<hbm>>
      %dma_wait3A_74 = tpu.memref_squeeze %dma_wait3A_73 : memref<1x32xi32, #tpu.memory_space<hbm>> -> memref<32xi32, #tpu.memory_space<hbm>>
      %dma_wait3A_75 = arith.constant 0 : i32
      %dma_wait3A_76 = tpu.memref_slice %arg4[%add3A, %dma_wait3A_75] : memref<32x32xi32, #tpu.memory_space<hbm>> -> memref<1x32xi32, #tpu.memory_space<hbm>>
      %dma_wait3A_77 = tpu.memref_squeeze %dma_wait3A_76 : memref<1x32xi32, #tpu.memory_space<hbm>> -> memref<32xi32, #tpu.memory_space<hbm>>
      tpu.wait_dma2 semaphore(%run_scoped3A : memref<!tpu.dma_semaphore, #tpu.memory_space<semaphore_mem>>) src(%arg7 : memref<32xi32, #tpu.memory_space<vmem>>) dst(%dma_wait3A_77 : memref<32xi32, #tpu.memory_space<hbm>>)
      tpu.yield
    }) : () -> ()
    return
  }
}

module attributes {stable_mosaic.version = 14 : i64} {
  func.func @_moe_body(%arg0: memref<32x32xf32, #tpu.memory_space<vmem>>, %arg1: memref<32x32xi32, #tpu.memory_space<vmem>>, %arg2: memref<32x768xf32, #tpu.memory_space<vmem>>, %arg3: memref<64x1536x768xf32, #tpu.memory_space<any>>, %arg4: memref<64x768x768xf32, #tpu.memory_space<any>>, %arg5: memref<32x768xf32, #tpu.memory_space<vmem>>, %arg6: memref<64x32xf32, #tpu.memory_space<vmem>>, %arg7: memref<1x64xi32, #tpu.memory_space<vmem>>, %arg8: memref<1x1xi32, #tpu.memory_space<vmem>>, %arg9: memref<1x64xi32, #tpu.memory_space<smem>>, %arg10: memref<1x1xi32, #tpu.memory_space<smem>>, %arg11: memref<3x1536x768xf32, #tpu.memory_space<vmem>>, %arg12: memref<3x768x768xf32, #tpu.memory_space<vmem>>, %arg13: memref<!tpu.dma_semaphore, #tpu.memory_space<semaphore_mem>>, %arg14: memref<!tpu.dma_semaphore, #tpu.memory_space<semaphore_mem>>, %arg15: memref<3x!tpu.dma_semaphore, #tpu.memory_space<semaphore_mem>>, %arg16: memref<3x!tpu.dma_semaphore, #tpu.memory_space<semaphore_mem>>) attributes {dimension_semantics = [], scalar_prefetch = 0 : i64, scratch_operands = 11 : i64, tpu.core_type = #tpu.core_type<tc>} {
    %get3A = arith.constant 0 : index
    %get3A_0 = arith.constant 0 : index
    %get3A_1 = vector.load %arg0[%get3A, %get3A_0] : memref<32x32xf32, #tpu.memory_space<vmem>>, vector<32x32xf32>
    %get3A_2 = arith.constant 0 : index
    %get3A_3 = arith.constant 0 : index
    %get3A_4 = vector.load %arg1[%get3A_2, %get3A_3] : memref<32x32xi32, #tpu.memory_space<vmem>>, vector<32x32xi32>
    %slice3A = vector.extract_strided_slice %get3A_1 {offsets = [0, 0], sizes = [32, 16], strides = [1, 1]} : vector<32x32xf32> to vector<32x16xf32>
    %slice3A_5 = vector.extract_strided_slice %get3A_4 {offsets = [0, 0], sizes = [32, 16], strides = [1, 1]} : vector<32x32xi32> to vector<32x16xi32>
    %slice3A_6 = vector.extract_strided_slice %get3A_1 {offsets = [0, 16], sizes = [32, 16], strides = [1, 1]} : vector<32x32xf32> to vector<32x16xf32>
    %slice3A_7 = vector.extract_strided_slice %get3A_4 {offsets = [0, 16], sizes = [32, 16], strides = [1, 1]} : vector<32x32xi32> to vector<32x16xi32>
    %reduce_max3A = arith.constant dense<0xFF800000> : vector<32xf32>
    %reduce_max3A_8 = vector.multi_reduction <maximumf>, %slice3A, %reduce_max3A [1] : vector<32x16xf32> to vector<32xf32>
    %broadcast_in_dim3A = vector.shape_cast %reduce_max3A_8 : vector<32xf32> to vector<32x1xf32>
    %eq3A = vector.broadcast %broadcast_in_dim3A : vector<32x1xf32> to vector<32x16xf32>
    %eq3A_9 = arith.cmpf oeq, %slice3A, %eq3A : vector<32x16xf32>
    %jit3A = arith.constant 64 : i32
    %broadcast_in_dim3A_10 = vector.broadcast %jit3A : i32 to vector<32x16xi32>
    %select_n3A = arith.select %eq3A_9, %slice3A_5, %broadcast_in_dim3A_10 : vector<32x16xi1>, vector<32x16xi32>
    %reduce_min3A = arith.constant dense<2147483647> : vector<32xi32>
    %reduce_min3A_11 = vector.multi_reduction <minsi>, %select_n3A, %reduce_min3A [1] : vector<32x16xi32> to vector<32xi32>
    %broadcast_in_dim3A_12 = vector.shape_cast %reduce_min3A_11 : vector<32xi32> to vector<32x1xi32>
    %eq3A_13 = vector.broadcast %broadcast_in_dim3A_12 : vector<32x1xi32> to vector<32x16xi32>
    %eq3A_14 = arith.cmpi eq, %slice3A_5, %eq3A_13 : vector<32x16xi32>
    %select_n3A_15 = arith.select %eq3A_14, %slice3A_6, %slice3A : vector<32x16xi1>, vector<32x16xf32>
    %select_n3A_16 = arith.select %eq3A_14, %slice3A_7, %slice3A_5 : vector<32x16xi1>, vector<32x16xi32>
    %reduce_max3A_17 = arith.constant dense<0xFF800000> : vector<32xf32>
    %reduce_max3A_18 = vector.multi_reduction <maximumf>, %select_n3A_15, %reduce_max3A_17 [1] : vector<32x16xf32> to vector<32xf32>
    %broadcast_in_dim3A_19 = vector.shape_cast %reduce_max3A_18 : vector<32xf32> to vector<32x1xf32>
    %eq3A_20 = vector.broadcast %broadcast_in_dim3A_19 : vector<32x1xf32> to vector<32x16xf32>
    %eq3A_21 = arith.cmpf oeq, %select_n3A_15, %eq3A_20 : vector<32x16xf32>
    %jit3A_22 = arith.constant 64 : i32
    %broadcast_in_dim3A_23 = vector.broadcast %jit3A_22 : i32 to vector<32x16xi32>
    %select_n3A_24 = arith.select %eq3A_21, %select_n3A_16, %broadcast_in_dim3A_23 : vector<32x16xi1>, vector<32x16xi32>
    %reduce_min3A_25 = arith.constant dense<2147483647> : vector<32xi32>
    %reduce_min3A_26 = vector.multi_reduction <minsi>, %select_n3A_24, %reduce_min3A_25 [1] : vector<32x16xi32> to vector<32xi32>
    %broadcast_in_dim3A_27 = vector.shape_cast %reduce_min3A_26 : vector<32xi32> to vector<32x1xi32>
    %sub3A = arith.subf %broadcast_in_dim3A_19, %broadcast_in_dim3A : vector<32x1xf32>
    %exp3A = math.exp %sub3A : vector<32x1xf32>
    %add3A = arith.constant 1.000000e+00 : f32
    %add3A_28 = vector.broadcast %add3A : f32 to vector<32x1xf32>
    %add3A_29 = arith.addf %add3A_28, %exp3A : vector<32x1xf32>
    %div3A = arith.constant 1.000000e+00 : f32
    %div3A_30 = vector.broadcast %div3A : f32 to vector<32x1xf32>
    %div3A_31 = arith.divf %div3A_30, %add3A_29 : vector<32x1xf32>
    %sub3A_32 = arith.constant 1.000000e+00 : f32
    %sub3A_33 = vector.broadcast %sub3A_32 : f32 to vector<32x1xf32>
    %sub3A_34 = arith.subf %sub3A_33, %div3A_31 : vector<32x1xf32>
    %concatenate3A = tpu.concatenate %broadcast_in_dim3A_12, %broadcast_in_dim3A_27 in 0 : vector<32x1xi32>, vector<32x1xi32> -> vector<64x1xi32>
    %iota3A = tpu.iota {dimensions = array<i32: 0>} : vector<64x64xi32>
    %iota3A_35 = tpu.iota {dimensions = array<i32: 1>} : vector<64x64xi32>
    %broadcast_in_dim3A_36 = vector.shape_cast %concatenate3A : vector<64x1xi32> to vector<64x1xi32>
    %broadcast_in_dim3A_37 = vector.broadcast %broadcast_in_dim3A_36 : vector<64x1xi32> to vector<64x64xi32>
    %eq3A_38 = arith.cmpi eq, %iota3A, %iota3A_35 : vector<64x64xi32>
    %broadcast_in_dim3A_39 = arith.constant 0 : i32
    %broadcast_in_dim3A_40 = vector.broadcast %broadcast_in_dim3A_39 : i32 to vector<64x64xi32>
    %select_n3A_41 = arith.select %eq3A_38, %broadcast_in_dim3A_37, %broadcast_in_dim3A_40 : vector<64x64xi1>, vector<64x64xi32>
    %reduce_sum3A = arith.constant dense<0> : vector<64xi32>
    %reduce_sum3A_42 = vector.multi_reduction <add>, %select_n3A_41, %reduce_sum3A [0] : vector<64x64xi32> to vector<64xi32>
    %broadcast_in_dim3A_43 = vector.shape_cast %reduce_sum3A_42 : vector<64xi32> to vector<1x64xi32>
    %iota3A_44 = tpu.iota {dimensions = array<i32: 0>} : vector<64x64xi32>
    %iota3A_45 = tpu.iota {dimensions = array<i32: 1>} : vector<64x64xi32>
    %broadcast_in_dim3A_46 = vector.shape_cast %concatenate3A : vector<64x1xi32> to vector<64x1xi32>
    %broadcast_in_dim3A_47 = vector.broadcast %broadcast_in_dim3A_46 : vector<64x1xi32> to vector<64x64xi32>
    %broadcast_in_dim3A_48 = vector.shape_cast %broadcast_in_dim3A_43 : vector<1x64xi32> to vector<1x64xi32>
    %broadcast_in_dim3A_49 = vector.broadcast %broadcast_in_dim3A_48 : vector<1x64xi32> to vector<64x64xi32>
    %eq3A_50 = arith.cmpi eq, %broadcast_in_dim3A_49, %broadcast_in_dim3A_47 : vector<64x64xi32>
    %lt3A = arith.cmpi slt, %iota3A_45, %iota3A_44 : vector<64x64xi32>
    %and3A = arith.andi %eq3A_50, %lt3A : vector<64x64xi1>
    %convert_element_type3A = arith.extui %and3A : vector<64x64xi1> to vector<64x64xi32>
    %reduce_sum3A_51 = arith.constant dense<0> : vector<64xi32>
    %reduce_sum3A_52 = vector.multi_reduction <add>, %convert_element_type3A, %reduce_sum3A_51 [1] : vector<64x64xi32> to vector<64xi32>
    %broadcast_in_dim3A_53 = vector.shape_cast %reduce_sum3A_52 : vector<64xi32> to vector<64x1xi32>
    %eq3A_54 = arith.constant 0 : i32
    %eq3A_55 = vector.broadcast %eq3A_54 : i32 to vector<64x1xi32>
    %eq3A_56 = arith.cmpi eq, %broadcast_in_dim3A_53, %eq3A_55 : vector<64x1xi32>
    %convert_element_type3A_57 = arith.extui %eq3A_56 : vector<64x1xi1> to vector<64x1xi32>
    %iota3A_58 = tpu.iota {dimensions = array<i32: 0>} : vector<64x64xi32>
    %iota3A_59 = tpu.iota {dimensions = array<i32: 1>} : vector<64x64xi32>
    %broadcast_in_dim3A_60 = vector.shape_cast %convert_element_type3A_57 : vector<64x1xi32> to vector<64x1xi32>
    %broadcast_in_dim3A_61 = vector.broadcast %broadcast_in_dim3A_60 : vector<64x1xi32> to vector<64x64xi32>
    %eq3A_62 = arith.cmpi eq, %iota3A_58, %iota3A_59 : vector<64x64xi32>
    %broadcast_in_dim3A_63 = arith.constant 0 : i32
    %broadcast_in_dim3A_64 = vector.broadcast %broadcast_in_dim3A_63 : i32 to vector<64x64xi32>
    %select_n3A_65 = arith.select %eq3A_62, %broadcast_in_dim3A_61, %broadcast_in_dim3A_64 : vector<64x64xi1>, vector<64x64xi32>
    %reduce_sum3A_66 = arith.constant dense<0> : vector<64xi32>
    %reduce_sum3A_67 = vector.multi_reduction <add>, %select_n3A_65, %reduce_sum3A_66 [0] : vector<64x64xi32> to vector<64xi32>
    %broadcast_in_dim3A_68 = vector.shape_cast %reduce_sum3A_67 : vector<64xi32> to vector<1x64xi32>
    %broadcast_in_dim3A_69 = vector.shape_cast %broadcast_in_dim3A_68 : vector<1x64xi32> to vector<1x64xi32>
    %broadcast_in_dim3A_70 = vector.broadcast %broadcast_in_dim3A_69 : vector<1x64xi32> to vector<64x64xi32>
    %eq3A_71 = arith.constant 1 : i32
    %eq3A_72 = vector.broadcast %eq3A_71 : i32 to vector<64x64xi32>
    %eq3A_73 = arith.cmpi eq, %broadcast_in_dim3A_70, %eq3A_72 : vector<64x64xi32>
    %lt3A_74 = arith.cmpi slt, %broadcast_in_dim3A_49, %broadcast_in_dim3A_47 : vector<64x64xi32>
    %and3A_75 = arith.andi %eq3A_73, %lt3A_74 : vector<64x64xi1>
    %convert_element_type3A_76 = arith.extui %and3A_75 : vector<64x64xi1> to vector<64x64xi32>
    %reduce_sum3A_77 = arith.constant dense<0> : vector<64xi32>
    %reduce_sum3A_78 = vector.multi_reduction <add>, %convert_element_type3A_76, %reduce_sum3A_77 [1] : vector<64x64xi32> to vector<64xi32>
    %broadcast_in_dim3A_79 = vector.shape_cast %reduce_sum3A_78 : vector<64xi32> to vector<64x1xi32>
    %iota3A_80 = tpu.iota {dimensions = array<i32: 1>} : vector<64x64xi32>
    %broadcast_in_dim3A_81 = vector.shape_cast %broadcast_in_dim3A_79 : vector<64x1xi32> to vector<64x1xi32>
    %broadcast_in_dim3A_82 = vector.broadcast %broadcast_in_dim3A_81 : vector<64x1xi32> to vector<64x64xi32>
    %eq3A_83 = arith.cmpi eq, %broadcast_in_dim3A_82, %iota3A_80 : vector<64x64xi32>
    %broadcast_in_dim3A_84 = vector.shape_cast %convert_element_type3A_57 : vector<64x1xi32> to vector<64x1xi32>
    %broadcast_in_dim3A_85 = vector.broadcast %broadcast_in_dim3A_84 : vector<64x1xi32> to vector<64x64xi32>
    %eq3A_86 = arith.constant 1 : i32
    %eq3A_87 = vector.broadcast %eq3A_86 : i32 to vector<64x64xi32>
    %eq3A_88 = arith.cmpi eq, %broadcast_in_dim3A_85, %eq3A_87 : vector<64x64xi32>
    %and3A_89 = arith.andi %eq3A_83, %eq3A_88 : vector<64x64xi1>
    %broadcast_in_dim3A_90 = arith.constant 0 : i32
    %broadcast_in_dim3A_91 = vector.broadcast %broadcast_in_dim3A_90 : i32 to vector<64x64xi32>
    %select_n3A_92 = arith.select %and3A_89, %broadcast_in_dim3A_47, %broadcast_in_dim3A_91 : vector<64x64xi1>, vector<64x64xi32>
    %reduce_sum3A_93 = arith.constant dense<0> : vector<64xi32>
    %reduce_sum3A_94 = vector.multi_reduction <add>, %select_n3A_92, %reduce_sum3A_93 [0] : vector<64x64xi32> to vector<64xi32>
    %broadcast_in_dim3A_95 = vector.shape_cast %reduce_sum3A_94 : vector<64xi32> to vector<1x64xi32>
    %swap3A = arith.constant 0 : index
    %swap3A_96 = arith.constant 0 : index
    %swap3A_97 = vector.load %arg7[%swap3A, %swap3A_96] : memref<1x64xi32, #tpu.memory_space<vmem>>, vector<1x64xi32>
    tpu.vector_store %arg7[%swap3A, %swap3A_96], %broadcast_in_dim3A_95 {strides = array<i32>} : memref<1x64xi32, #tpu.memory_space<vmem>>, vector<1x64xi32>,
    %reduce_sum3A_98 = vector.shape_cast %convert_element_type3A_57 : vector<64x1xi32> to vector<1x64x1xi32>
    %reduce_sum3A_99 = arith.constant dense<0> : vector<1xi32>
    %reduce_sum3A_100 = vector.multi_reduction <add>, %reduce_sum3A_98, %reduce_sum3A_99 [1, 2] : vector<1x64x1xi32> to vector<1xi32>
    %reduce_sum3A_101 = vector.shape_cast %reduce_sum3A_100 : vector<1xi32> to vector<1x1x1xi32>
    %reduce_sum3A_102 = vector.extract %reduce_sum3A_101[0, 0, 0] : i32 from vector<1x1x1xi32>
    %broadcast_in_dim3A_103 = vector.broadcast %reduce_sum3A_102 : i32 to vector<1x1xi32>
    %swap3A_104 = arith.constant 0 : index
    %swap3A_105 = arith.constant 0 : index
    %swap3A_106 = vector.load %arg8[%swap3A_104, %swap3A_105] : memref<1x1xi32, #tpu.memory_space<vmem>>, vector<1x1xi32>
    tpu.vector_store %arg8[%swap3A_104, %swap3A_105], %broadcast_in_dim3A_103 {strides = array<i32>} : memref<1x1xi32, #tpu.memory_space<vmem>>, vector<1x1xi32>,
    tpu.enqueue_dma source(%arg7 : memref<1x64xi32, #tpu.memory_space<vmem>>) target(%arg9 : memref<1x64xi32, #tpu.memory_space<smem>>) target_semaphore(%arg13 : memref<!tpu.dma_semaphore, #tpu.memory_space<semaphore_mem>>)
    tpu.enqueue_dma source(%arg8 : memref<1x1xi32, #tpu.memory_space<vmem>>) target(%arg10 : memref<1x1xi32, #tpu.memory_space<smem>>) target_semaphore(%arg14 : memref<!tpu.dma_semaphore, #tpu.memory_space<semaphore_mem>>)
    tpu.wait_dma2 semaphore(%arg13 : memref<!tpu.dma_semaphore, #tpu.memory_space<semaphore_mem>>) src(%arg7 : memref<1x64xi32, #tpu.memory_space<vmem>>) dst(%arg9 : memref<1x64xi32, #tpu.memory_space<smem>>)
    tpu.wait_dma2 semaphore(%arg14 : memref<!tpu.dma_semaphore, #tpu.memory_space<semaphore_mem>>) src(%arg8 : memref<1x1xi32, #tpu.memory_space<vmem>>) dst(%arg10 : memref<1x1xi32, #tpu.memory_space<smem>>)
    %get3A_107 = arith.constant 0 : index
    %get3A_108 = arith.constant 0 : index
    %get3A_109 = memref.load %arg10[%get3A_107, %get3A_108] : memref<1x1xi32, #tpu.memory_space<smem>>
    %gt3A = arith.constant 0 : i32
    %gt3A_110 = arith.cmpi sgt, %get3A_109, %gt3A : i32
    %convert_element_type3A_111 = arith.extui %gt3A_110 : i1 to i32
    %cond3A = arith.constant 0 : i32
    %cond3A_112 = arith.cmpi ne, %convert_element_type3A_111, %cond3A : i32
    scf.if %cond3A_112 {
      %get3A_197 = arith.constant 0 : index
      %get3A_198 = arith.constant 0 : index
      %get3A_199 = memref.load %arg9[%get3A_197, %get3A_198] : memref<1x64xi32, #tpu.memory_space<smem>>
      %dma_start3A = arith.constant 0 : i32
      %dma_start3A_200 = tpu.memref_slice %arg15[%dma_start3A] : memref<3x!tpu.dma_semaphore, #tpu.memory_space<semaphore_mem>> -> memref<1x!tpu.dma_semaphore, #tpu.memory_space<semaphore_mem>>
      %dma_start3A_201 = tpu.memref_squeeze %dma_start3A_200 : memref<1x!tpu.dma_semaphore, #tpu.memory_space<semaphore_mem>> -> memref<!tpu.dma_semaphore, #tpu.memory_space<semaphore_mem>>
      %dma_start3A_202 = arith.constant 0 : i32
      %dma_start3A_203 = arith.constant 0 : i32
      %dma_start3A_204 = arith.constant 0 : i32
      %dma_start3A_205 = tpu.memref_slice %arg11[%dma_start3A_202, %dma_start3A_203, %dma_start3A_204] : memref<3x1536x768xf32, #tpu.memory_space<vmem>> -> memref<1x1536x768xf32, #tpu.memory_space<vmem>>
      %dma_start3A_206 = arith.constant 0 : i32
      %dma_start3A_207 = arith.constant 0 : i32
      %dma_start3A_208 = tpu.memref_slice %arg3[%get3A_199, %dma_start3A_206, %dma_start3A_207] : memref<64x1536x768xf32, #tpu.memory_space<any>> -> memref<1x1536x768xf32, #tpu.memory_space<any>>
      tpu.enqueue_dma source(%dma_start3A_208 : memref<1x1536x768xf32, #tpu.memory_space<any>>) target(%dma_start3A_205 : memref<1x1536x768xf32, #tpu.memory_space<vmem>>) target_semaphore(%dma_start3A_201 : memref<!tpu.dma_semaphore, #tpu.memory_space<semaphore_mem>>)
      %dma_start3A_209 = arith.constant 0 : i32
      %dma_start3A_210 = tpu.memref_slice %arg16[%dma_start3A_209] : memref<3x!tpu.dma_semaphore, #tpu.memory_space<semaphore_mem>> -> memref<1x!tpu.dma_semaphore, #tpu.memory_space<semaphore_mem>>
      %dma_start3A_211 = tpu.memref_squeeze %dma_start3A_210 : memref<1x!tpu.dma_semaphore, #tpu.memory_space<semaphore_mem>> -> memref<!tpu.dma_semaphore, #tpu.memory_space<semaphore_mem>>
      %dma_start3A_212 = arith.constant 0 : i32
      %dma_start3A_213 = arith.constant 0 : i32
      %dma_start3A_214 = arith.constant 0 : i32
      %dma_start3A_215 = tpu.memref_slice %arg12[%dma_start3A_212, %dma_start3A_213, %dma_start3A_214] : memref<3x768x768xf32, #tpu.memory_space<vmem>> -> memref<1x768x768xf32, #tpu.memory_space<vmem>>
      %dma_start3A_216 = arith.constant 0 : i32
      %dma_start3A_217 = arith.constant 0 : i32
      %dma_start3A_218 = tpu.memref_slice %arg4[%get3A_199, %dma_start3A_216, %dma_start3A_217] : memref<64x768x768xf32, #tpu.memory_space<any>> -> memref<1x768x768xf32, #tpu.memory_space<any>>
      tpu.enqueue_dma source(%dma_start3A_218 : memref<1x768x768xf32, #tpu.memory_space<any>>) target(%dma_start3A_215 : memref<1x768x768xf32, #tpu.memory_space<vmem>>) target_semaphore(%dma_start3A_211 : memref<!tpu.dma_semaphore, #tpu.memory_space<semaphore_mem>>)
    } else {
    }
    %gt3A_113 = arith.constant 1 : i32
    %gt3A_114 = arith.cmpi sgt, %get3A_109, %gt3A_113 : i32
    %convert_element_type3A_115 = arith.extui %gt3A_114 : i1 to i32
    %cond3A_116 = arith.constant 0 : i32
    %cond3A_117 = arith.cmpi ne, %convert_element_type3A_115, %cond3A_116 : i32
    scf.if %cond3A_117 {
      %get3A_197 = arith.constant 0 : index
      %get3A_198 = arith.constant 1 : index
      %get3A_199 = memref.load %arg9[%get3A_197, %get3A_198] : memref<1x64xi32, #tpu.memory_space<smem>>
      %dma_start3A = arith.constant 1 : i32
      %dma_start3A_200 = tpu.memref_slice %arg15[%dma_start3A] : memref<3x!tpu.dma_semaphore, #tpu.memory_space<semaphore_mem>> -> memref<1x!tpu.dma_semaphore, #tpu.memory_space<semaphore_mem>>
      %dma_start3A_201 = tpu.memref_squeeze %dma_start3A_200 : memref<1x!tpu.dma_semaphore, #tpu.memory_space<semaphore_mem>> -> memref<!tpu.dma_semaphore, #tpu.memory_space<semaphore_mem>>
      %dma_start3A_202 = arith.constant 1 : i32
      %dma_start3A_203 = arith.constant 0 : i32
      %dma_start3A_204 = arith.constant 0 : i32
      %dma_start3A_205 = tpu.memref_slice %arg11[%dma_start3A_202, %dma_start3A_203, %dma_start3A_204] : memref<3x1536x768xf32, #tpu.memory_space<vmem>> -> memref<1x1536x768xf32, #tpu.memory_space<vmem>>
      %dma_start3A_206 = arith.constant 0 : i32
      %dma_start3A_207 = arith.constant 0 : i32
      %dma_start3A_208 = tpu.memref_slice %arg3[%get3A_199, %dma_start3A_206, %dma_start3A_207] : memref<64x1536x768xf32, #tpu.memory_space<any>> -> memref<1x1536x768xf32, #tpu.memory_space<any>>
      tpu.enqueue_dma source(%dma_start3A_208 : memref<1x1536x768xf32, #tpu.memory_space<any>>) target(%dma_start3A_205 : memref<1x1536x768xf32, #tpu.memory_space<vmem>>) target_semaphore(%dma_start3A_201 : memref<!tpu.dma_semaphore, #tpu.memory_space<semaphore_mem>>)
      %dma_start3A_209 = arith.constant 1 : i32
      %dma_start3A_210 = tpu.memref_slice %arg16[%dma_start3A_209] : memref<3x!tpu.dma_semaphore, #tpu.memory_space<semaphore_mem>> -> memref<1x!tpu.dma_semaphore, #tpu.memory_space<semaphore_mem>>
      %dma_start3A_211 = tpu.memref_squeeze %dma_start3A_210 : memref<1x!tpu.dma_semaphore, #tpu.memory_space<semaphore_mem>> -> memref<!tpu.dma_semaphore, #tpu.memory_space<semaphore_mem>>
      %dma_start3A_212 = arith.constant 1 : i32
      %dma_start3A_213 = arith.constant 0 : i32
      %dma_start3A_214 = arith.constant 0 : i32
      %dma_start3A_215 = tpu.memref_slice %arg12[%dma_start3A_212, %dma_start3A_213, %dma_start3A_214] : memref<3x768x768xf32, #tpu.memory_space<vmem>> -> memref<1x768x768xf32, #tpu.memory_space<vmem>>
      %dma_start3A_216 = arith.constant 0 : i32
      %dma_start3A_217 = arith.constant 0 : i32
      %dma_start3A_218 = tpu.memref_slice %arg4[%get3A_199, %dma_start3A_216, %dma_start3A_217] : memref<64x768x768xf32, #tpu.memory_space<any>> -> memref<1x768x768xf32, #tpu.memory_space<any>>
      tpu.enqueue_dma source(%dma_start3A_218 : memref<1x768x768xf32, #tpu.memory_space<any>>) target(%dma_start3A_215 : memref<1x768x768xf32, #tpu.memory_space<vmem>>) target_semaphore(%dma_start3A_211 : memref<!tpu.dma_semaphore, #tpu.memory_space<semaphore_mem>>)
    } else {
    }
    %iota3A_118 = tpu.iota {dimensions = array<i32: 0>} : vector<32x32xi32>
    %iota3A_119 = tpu.iota {dimensions = array<i32: 1>} : vector<32x32xi32>
    %broadcast_in_dim3A_120 = vector.shape_cast %broadcast_in_dim3A_12 : vector<32x1xi32> to vector<32x1xi32>
    %broadcast_in_dim3A_121 = vector.broadcast %broadcast_in_dim3A_120 : vector<32x1xi32> to vector<32x32xi32>
    %eq3A_122 = arith.cmpi eq, %iota3A_118, %iota3A_119 : vector<32x32xi32>
    %broadcast_in_dim3A_123 = arith.constant 0 : i32
    %broadcast_in_dim3A_124 = vector.broadcast %broadcast_in_dim3A_123 : i32 to vector<32x32xi32>
    %select_n3A_125 = arith.select %eq3A_122, %broadcast_in_dim3A_121, %broadcast_in_dim3A_124 : vector<32x32xi1>, vector<32x32xi32>
    %reduce_sum3A_126 = arith.constant dense<0> : vector<32xi32>
    %reduce_sum3A_127 = vector.multi_reduction <add>, %select_n3A_125, %reduce_sum3A_126 [0] : vector<32x32xi32> to vector<32xi32>
    %broadcast_in_dim3A_128 = vector.shape_cast %reduce_sum3A_127 : vector<32xi32> to vector<1x32xi32>
    %broadcast_in_dim3A_129 = vector.shape_cast %broadcast_in_dim3A_128 : vector<1x32xi32> to vector<1x32xi32>
    %broadcast_in_dim3A_130 = vector.broadcast %broadcast_in_dim3A_129 : vector<1x32xi32> to vector<64x32xi32>
    %iota3A_131 = tpu.iota {dimensions = array<i32: 0>} : vector<32x32xi32>
    %iota3A_132 = tpu.iota {dimensions = array<i32: 1>} : vector<32x32xi32>
    %broadcast_in_dim3A_133 = vector.shape_cast %broadcast_in_dim3A_27 : vector<32x1xi32> to vector<32x1xi32>
    %broadcast_in_dim3A_134 = vector.broadcast %broadcast_in_dim3A_133 : vector<32x1xi32> to vector<32x32xi32>
    %eq3A_135 = arith.cmpi eq, %iota3A_131, %iota3A_132 : vector<32x32xi32>
    %broadcast_in_dim3A_136 = arith.constant 0 : i32
    %broadcast_in_dim3A_137 = vector.broadcast %broadcast_in_dim3A_136 : i32 to vector<32x32xi32>
    %select_n3A_138 = arith.select %eq3A_135, %broadcast_in_dim3A_134, %broadcast_in_dim3A_137 : vector<32x32xi1>, vector<32x32xi32>
    %reduce_sum3A_139 = arith.constant dense<0> : vector<32xi32>
    %reduce_sum3A_140 = vector.multi_reduction <add>, %select_n3A_138, %reduce_sum3A_139 [0] : vector<32x32xi32> to vector<32xi32>
    %broadcast_in_dim3A_141 = vector.shape_cast %reduce_sum3A_140 : vector<32xi32> to vector<1x32xi32>
    %broadcast_in_dim3A_142 = vector.shape_cast %broadcast_in_dim3A_141 : vector<1x32xi32> to vector<1x32xi32>
    %broadcast_in_dim3A_143 = vector.broadcast %broadcast_in_dim3A_142 : vector<1x32xi32> to vector<64x32xi32>
    %iota3A_144 = tpu.iota {dimensions = array<i32: 0>} : vector<32x32xi32>
    %iota3A_145 = tpu.iota {dimensions = array<i32: 1>} : vector<32x32xi32>
    %broadcast_in_dim3A_146 = vector.shape_cast %div3A_31 : vector<32x1xf32> to vector<32x1xf32>
    %broadcast_in_dim3A_147 = vector.broadcast %broadcast_in_dim3A_146 : vector<32x1xf32> to vector<32x32xf32>
    %eq3A_148 = arith.cmpi eq, %iota3A_144, %iota3A_145 : vector<32x32xi32>
    %broadcast_in_dim3A_149 = arith.constant 0.000000e+00 : f32
    %broadcast_in_dim3A_150 = vector.broadcast %broadcast_in_dim3A_149 : f32 to vector<32x32xf32>
    %select_n3A_151 = arith.select %eq3A_148, %broadcast_in_dim3A_147, %broadcast_in_dim3A_150 : vector<32x32xi1>, vector<32x32xf32>
    %reduce_sum3A_152 = arith.constant dense<0.000000e+00> : vector<32xf32>
    %reduce_sum3A_153 = vector.multi_reduction <add>, %select_n3A_151, %reduce_sum3A_152 [0] : vector<32x32xf32> to vector<32xf32>
    %broadcast_in_dim3A_154 = vector.shape_cast %reduce_sum3A_153 : vector<32xf32> to vector<1x32xf32>
    %broadcast_in_dim3A_155 = vector.shape_cast %broadcast_in_dim3A_154 : vector<1x32xf32> to vector<1x32xf32>
    %broadcast_in_dim3A_156 = vector.broadcast %broadcast_in_dim3A_155 : vector<1x32xf32> to vector<64x32xf32>
    %iota3A_157 = tpu.iota {dimensions = array<i32: 0>} : vector<32x32xi32>
    %iota3A_158 = tpu.iota {dimensions = array<i32: 1>} : vector<32x32xi32>
    %broadcast_in_dim3A_159 = vector.shape_cast %sub3A_34 : vector<32x1xf32> to vector<32x1xf32>
    %broadcast_in_dim3A_160 = vector.broadcast %broadcast_in_dim3A_159 : vector<32x1xf32> to vector<32x32xf32>
    %eq3A_161 = arith.cmpi eq, %iota3A_157, %iota3A_158 : vector<32x32xi32>
    %broadcast_in_dim3A_162 = arith.constant 0.000000e+00 : f32
    %broadcast_in_dim3A_163 = vector.broadcast %broadcast_in_dim3A_162 : f32 to vector<32x32xf32>
    %select_n3A_164 = arith.select %eq3A_161, %broadcast_in_dim3A_160, %broadcast_in_dim3A_163 : vector<32x32xi1>, vector<32x32xf32>
    %reduce_sum3A_165 = arith.constant dense<0.000000e+00> : vector<32xf32>
    %reduce_sum3A_166 = vector.multi_reduction <add>, %select_n3A_164, %reduce_sum3A_165 [0] : vector<32x32xf32> to vector<32xf32>
    %broadcast_in_dim3A_167 = vector.shape_cast %reduce_sum3A_166 : vector<32xf32> to vector<1x32xf32>
    %broadcast_in_dim3A_168 = vector.shape_cast %broadcast_in_dim3A_167 : vector<1x32xf32> to vector<1x32xf32>
    %broadcast_in_dim3A_169 = vector.broadcast %broadcast_in_dim3A_168 : vector<1x32xf32> to vector<64x32xf32>
    %iota3A_170 = tpu.iota {dimensions = array<i32: 0>} : vector<64x32xi32>
    %broadcast_in_dim3A_171 = arith.constant 0.000000e+00 : f32
    %broadcast_in_dim3A_172 = vector.broadcast %broadcast_in_dim3A_171 : f32 to vector<64x32xf32>
    %eq3A_173 = arith.cmpi eq, %iota3A_170, %broadcast_in_dim3A_130 : vector<64x32xi32>
    %select_n3A_174 = arith.select %eq3A_173, %broadcast_in_dim3A_156, %broadcast_in_dim3A_172 : vector<64x32xi1>, vector<64x32xf32>
    %eq3A_175 = arith.cmpi eq, %iota3A_170, %broadcast_in_dim3A_143 : vector<64x32xi32>
    %select_n3A_176 = arith.select %eq3A_175, %broadcast_in_dim3A_169, %broadcast_in_dim3A_172 : vector<64x32xi1>, vector<64x32xf32>
    %add3A_177 = arith.addf %select_n3A_174, %select_n3A_176 : vector<64x32xf32>
    %swap3A_178 = arith.constant 0 : index
    %swap3A_179 = arith.constant 0 : index
    %swap3A_180 = vector.load %arg6[%swap3A_178, %swap3A_179] : memref<64x32xf32, #tpu.memory_space<vmem>>, vector<64x32xf32>
    tpu.vector_store %arg6[%swap3A_178, %swap3A_179], %add3A_177 {strides = array<i32>} : memref<64x32xf32, #tpu.memory_space<vmem>>, vector<64x32xf32>,
    %broadcast_in_dim3A_181 = arith.constant 0.000000e+00 : f32
    %broadcast_in_dim3A_182 = vector.broadcast %broadcast_in_dim3A_181 : f32 to vector<32x768xf32>
    %swap3A_183 = arith.constant 0 : index
    %swap3A_184 = arith.constant 0 : index
    %swap3A_185 = vector.load %arg5[%swap3A_183, %swap3A_184] : memref<32x768xf32, #tpu.memory_space<vmem>>, vector<32x768xf32>
    tpu.vector_store %arg5[%swap3A_183, %swap3A_184], %broadcast_in_dim3A_182 {strides = array<i32>} : memref<32x768xf32, #tpu.memory_space<vmem>>, vector<32x768xf32>,
    %while3A = arith.constant 0 : i32
    %while3A_186 = arith.constant 0 : i32
    %while3A_187 = arith.subi %get3A_109, %while3A : i32
    %while3A_188 = arith.addi %while3A, %while3A_187 : i32
    %while3A_189 = arith.constant 1 : i32
    %while3A_190 = arith.divsi %while3A_187, %while3A_189 : i32
    %while3A_191 = arith.muli %while3A_190, %while3A_189 : i32
    %while3A_192 = arith.addi %while3A, %while3A_191 : i32
    %while3A_193 = arith.constant 1 : i32
    %while3A_194 = scf.for %while3A_197 = %while3A to %while3A_192 step %while3A_193 iter_args(%while3A_198 = %while3A_186) -> (i32)  : i32 {
      %add3A_199 = arith.constant 3 : i32
      %add3A_200 = arith.addi %while3A_197, %add3A_199 : i32
      %sub3A_201 = arith.constant 1 : i32
      %sub3A_202 = arith.subi %add3A_200, %sub3A_201 : i32
      %lt3A_203 = arith.cmpi slt, %sub3A_202, %get3A_109 : i32
      %convert_element_type3A_204 = arith.extui %lt3A_203 : i1 to i32
      %cond3A_205 = arith.constant 0 : i32
      %cond3A_206 = arith.cmpi ne, %convert_element_type3A_204, %cond3A_205 : i32
      scf.if %cond3A_206 {
        %rem3A_274 = arith.constant 3 : i32
        %rem3A_275 = arith.remsi %sub3A_202, %rem3A_274 : i32
        %get3A_276 = arith.constant 0 : index
        %get3A_277 = arith.index_cast %sub3A_202 : i32 to index
        %get3A_278 = memref.load %arg9[%get3A_276, %get3A_277] : memref<1x64xi32, #tpu.memory_space<smem>>
        %dma_start3A = tpu.memref_slice %arg15[%rem3A_275] : memref<3x!tpu.dma_semaphore, #tpu.memory_space<semaphore_mem>> -> memref<1x!tpu.dma_semaphore, #tpu.memory_space<semaphore_mem>>
        %dma_start3A_279 = tpu.memref_squeeze %dma_start3A : memref<1x!tpu.dma_semaphore, #tpu.memory_space<semaphore_mem>> -> memref<!tpu.dma_semaphore, #tpu.memory_space<semaphore_mem>>
        %dma_start3A_280 = arith.constant 0 : i32
        %dma_start3A_281 = arith.constant 0 : i32
        %dma_start3A_282 = tpu.memref_slice %arg11[%rem3A_275, %dma_start3A_280, %dma_start3A_281] : memref<3x1536x768xf32, #tpu.memory_space<vmem>> -> memref<1x1536x768xf32, #tpu.memory_space<vmem>>
        %dma_start3A_283 = arith.constant 0 : i32
        %dma_start3A_284 = arith.constant 0 : i32
        %dma_start3A_285 = tpu.memref_slice %arg3[%get3A_278, %dma_start3A_283, %dma_start3A_284] : memref<64x1536x768xf32, #tpu.memory_space<any>> -> memref<1x1536x768xf32, #tpu.memory_space<any>>
        tpu.enqueue_dma source(%dma_start3A_285 : memref<1x1536x768xf32, #tpu.memory_space<any>>) target(%dma_start3A_282 : memref<1x1536x768xf32, #tpu.memory_space<vmem>>) target_semaphore(%dma_start3A_279 : memref<!tpu.dma_semaphore, #tpu.memory_space<semaphore_mem>>)
        %dma_start3A_286 = tpu.memref_slice %arg16[%rem3A_275] : memref<3x!tpu.dma_semaphore, #tpu.memory_space<semaphore_mem>> -> memref<1x!tpu.dma_semaphore, #tpu.memory_space<semaphore_mem>>
        %dma_start3A_287 = tpu.memref_squeeze %dma_start3A_286 : memref<1x!tpu.dma_semaphore, #tpu.memory_space<semaphore_mem>> -> memref<!tpu.dma_semaphore, #tpu.memory_space<semaphore_mem>>
        %dma_start3A_288 = arith.constant 0 : i32
        %dma_start3A_289 = arith.constant 0 : i32
        %dma_start3A_290 = tpu.memref_slice %arg12[%rem3A_275, %dma_start3A_288, %dma_start3A_289] : memref<3x768x768xf32, #tpu.memory_space<vmem>> -> memref<1x768x768xf32, #tpu.memory_space<vmem>>
        %dma_start3A_291 = arith.constant 0 : i32
        %dma_start3A_292 = arith.constant 0 : i32
        %dma_start3A_293 = tpu.memref_slice %arg4[%get3A_278, %dma_start3A_291, %dma_start3A_292] : memref<64x768x768xf32, #tpu.memory_space<any>> -> memref<1x768x768xf32, #tpu.memory_space<any>>
        tpu.enqueue_dma source(%dma_start3A_293 : memref<1x768x768xf32, #tpu.memory_space<any>>) target(%dma_start3A_290 : memref<1x768x768xf32, #tpu.memory_space<vmem>>) target_semaphore(%dma_start3A_287 : memref<!tpu.dma_semaphore, #tpu.memory_space<semaphore_mem>>)
      } else {
      }
      %rem3A = arith.constant 3 : i32
      %rem3A_207 = arith.remsi %while3A_197, %rem3A : i32
      %get3A_208 = arith.constant 0 : index
      %get3A_209 = arith.index_cast %while3A_197 : i32 to index
      %get3A_210 = memref.load %arg9[%get3A_208, %get3A_209] : memref<1x64xi32, #tpu.memory_space<smem>>
      %dma_wait3A = tpu.memref_slice %arg15[%rem3A_207] : memref<3x!tpu.dma_semaphore, #tpu.memory_space<semaphore_mem>> -> memref<1x!tpu.dma_semaphore, #tpu.memory_space<semaphore_mem>>
      %dma_wait3A_211 = tpu.memref_squeeze %dma_wait3A : memref<1x!tpu.dma_semaphore, #tpu.memory_space<semaphore_mem>> -> memref<!tpu.dma_semaphore, #tpu.memory_space<semaphore_mem>>
      %dma_wait3A_212 = arith.constant 0 : i32
      %dma_wait3A_213 = arith.constant 0 : i32
      %dma_wait3A_214 = tpu.memref_slice %arg11[%rem3A_207, %dma_wait3A_212, %dma_wait3A_213] : memref<3x1536x768xf32, #tpu.memory_space<vmem>> -> memref<1x1536x768xf32, #tpu.memory_space<vmem>>
      %dma_wait3A_215 = arith.constant 0 : i32
      %dma_wait3A_216 = arith.constant 0 : i32
      %dma_wait3A_217 = tpu.memref_slice %arg3[%get3A_210, %dma_wait3A_215, %dma_wait3A_216] : memref<64x1536x768xf32, #tpu.memory_space<any>> -> memref<1x1536x768xf32, #tpu.memory_space<any>>
      tpu.wait_dma2 semaphore(%dma_wait3A_211 : memref<!tpu.dma_semaphore, #tpu.memory_space<semaphore_mem>>) src(%dma_wait3A_217 : memref<1x1536x768xf32, #tpu.memory_space<any>>) dst(%dma_wait3A_214 : memref<1x1536x768xf32, #tpu.memory_space<vmem>>)
      %dma_wait3A_218 = tpu.memref_slice %arg16[%rem3A_207] : memref<3x!tpu.dma_semaphore, #tpu.memory_space<semaphore_mem>> -> memref<1x!tpu.dma_semaphore, #tpu.memory_space<semaphore_mem>>
      %dma_wait3A_219 = tpu.memref_squeeze %dma_wait3A_218 : memref<1x!tpu.dma_semaphore, #tpu.memory_space<semaphore_mem>> -> memref<!tpu.dma_semaphore, #tpu.memory_space<semaphore_mem>>
      %dma_wait3A_220 = arith.constant 0 : i32
      %dma_wait3A_221 = arith.constant 0 : i32
      %dma_wait3A_222 = tpu.memref_slice %arg12[%rem3A_207, %dma_wait3A_220, %dma_wait3A_221] : memref<3x768x768xf32, #tpu.memory_space<vmem>> -> memref<1x768x768xf32, #tpu.memory_space<vmem>>
      %dma_wait3A_223 = arith.constant 0 : i32
      %dma_wait3A_224 = arith.constant 0 : i32
      %dma_wait3A_225 = tpu.memref_slice %arg4[%get3A_210, %dma_wait3A_223, %dma_wait3A_224] : memref<64x768x768xf32, #tpu.memory_space<any>> -> memref<1x768x768xf32, #tpu.memory_space<any>>
      tpu.wait_dma2 semaphore(%dma_wait3A_219 : memref<!tpu.dma_semaphore, #tpu.memory_space<semaphore_mem>>) src(%dma_wait3A_225 : memref<1x768x768xf32, #tpu.memory_space<any>>) dst(%dma_wait3A_222 : memref<1x768x768xf32, #tpu.memory_space<vmem>>)
      %get3A_226 = arith.index_cast %rem3A_207 : i32 to index
      %get3A_227 = arith.constant 0 : index
      %get3A_228 = arith.constant 0 : index
      %get3A_229 = vector.load %arg11[%get3A_226, %get3A_227, %get3A_228] : memref<3x1536x768xf32, #tpu.memory_space<vmem>>, vector<1x1536x768xf32>
      %get3A_230 = vector.shape_cast %get3A_229 : vector<1x1536x768xf32> to vector<1536x768xf32>
      %get3A_231 = arith.constant 0 : index
      %get3A_232 = arith.constant 0 : index
      %get3A_233 = vector.load %arg2[%get3A_231, %get3A_232] : memref<32x768xf32, #tpu.memory_space<vmem>>, vector<32x768xf32>
      %dot_general3A = arith.constant dense<0.000000e+00> : vector<32x1536xf32>
      %dot_general3A_234 = tpu.matmul %get3A_233, %get3A_230, %dot_general3A {dimension_numbers = #tpu.dot_dimension_numbers<[1], [1], [0], [0], [0, 0, 1, 0], [], []>, transpose_lhs_hint = false} : vector<32x768xf32>, vector<1536x768xf32>, vector<32x1536xf32> -> vector<32x1536xf32>
      %slice3A_235 = vector.extract_strided_slice %dot_general3A_234 {offsets = [0, 0], sizes = [32, 768], strides = [1, 1]} : vector<32x1536xf32> to vector<32x768xf32>
      %slice3A_236 = vector.extract_strided_slice %dot_general3A_234 {offsets = [0, 768], sizes = [32, 768], strides = [1, 1]} : vector<32x1536xf32> to vector<32x768xf32>
      %logistic3A = arith.negf %slice3A_235 : vector<32x768xf32>
      %logistic3A_237 = math.exp %logistic3A : vector<32x768xf32>
      %logistic3A_238 = arith.constant 1.000000e+00 : f32
      %logistic3A_239 = vector.broadcast %logistic3A_238 : f32 to vector<32x768xf32>
      %logistic3A_240 = arith.addf %logistic3A_239, %logistic3A_237 : vector<32x768xf32>
      %logistic3A_241 = arith.divf %logistic3A_239, %logistic3A_240 : vector<32x768xf32>
      %mul3A = arith.mulf %slice3A_235, %logistic3A_241 : vector<32x768xf32>
      %mul3A_242 = arith.mulf %mul3A, %slice3A_236 : vector<32x768xf32>
      %get3A_243 = arith.index_cast %rem3A_207 : i32 to index
      %get3A_244 = arith.constant 0 : index
      %get3A_245 = arith.constant 0 : index
      %get3A_246 = vector.load %arg12[%get3A_243, %get3A_244, %get3A_245] : memref<3x768x768xf32, #tpu.memory_space<vmem>>, vector<1x768x768xf32>
      %get3A_247 = vector.shape_cast %get3A_246 : vector<1x768x768xf32> to vector<768x768xf32>
      %dot_general3A_248 = arith.constant dense<0.000000e+00> : vector<32x768xf32>
      %dot_general3A_249 = tpu.matmul %mul3A_242, %get3A_247, %dot_general3A_248 {dimension_numbers = #tpu.dot_dimension_numbers<[1], [1], [0], [0], [0, 0, 1, 0], [], []>, transpose_lhs_hint = false} : vector<32x768xf32>, vector<768x768xf32>, vector<32x768xf32> -> vector<32x768xf32>
      %get3A_250 = arith.index_cast %get3A_210 : i32 to index
      %get3A_251 = arith.constant 0 : index
      %get3A_252 = vector.load %arg6[%get3A_250, %get3A_251] : memref<64x32xf32, #tpu.memory_space<vmem>>, vector<1x32xf32>
      %iota3A_253 = tpu.iota {dimensions = array<i32: 0>} : vector<32x32xi32>
      %iota3A_254 = tpu.iota {dimensions = array<i32: 1>} : vector<32x32xi32>
      %broadcast_in_dim3A_255 = vector.shape_cast %get3A_252 : vector<1x32xf32> to vector<1x32xf32>
      %broadcast_in_dim3A_256 = vector.broadcast %broadcast_in_dim3A_255 : vector<1x32xf32> to vector<32x32xf32>
      %eq3A_257 = arith.cmpi eq, %iota3A_253, %iota3A_254 : vector<32x32xi32>
      %broadcast_in_dim3A_258 = arith.constant 0.000000e+00 : f32
      %broadcast_in_dim3A_259 = vector.broadcast %broadcast_in_dim3A_258 : f32 to vector<32x32xf32>
      %select_n3A_260 = arith.select %eq3A_257, %broadcast_in_dim3A_256, %broadcast_in_dim3A_259 : vector<32x32xi1>, vector<32x32xf32>
      %reduce_sum3A_261 = arith.constant dense<0.000000e+00> : vector<32xf32>
      %reduce_sum3A_262 = vector.multi_reduction <add>, %select_n3A_260, %reduce_sum3A_261 [1] : vector<32x32xf32> to vector<32xf32>
      %broadcast_in_dim3A_263 = vector.shape_cast %reduce_sum3A_262 : vector<32xf32> to vector<32x1xf32>
      %get3A_264 = arith.constant 0 : index
      %get3A_265 = arith.constant 0 : index
      %get3A_266 = vector.load %arg5[%get3A_264, %get3A_265] : memref<32x768xf32, #tpu.memory_space<vmem>>, vector<32x768xf32>
      %mul3A_267 = vector.broadcast %broadcast_in_dim3A_263 : vector<32x1xf32> to vector<32x768xf32>
      %mul3A_268 = arith.mulf %mul3A_267, %dot_general3A_249 : vector<32x768xf32>
      %add3A_269 = arith.addf %get3A_266, %mul3A_268 : vector<32x768xf32>
      %swap3A_270 = arith.constant 0 : index
      %swap3A_271 = arith.constant 0 : index
      %swap3A_272 = vector.load %arg5[%swap3A_270, %swap3A_271] : memref<32x768xf32, #tpu.memory_space<vmem>>, vector<32x768xf32>
      tpu.vector_store %arg5[%swap3A_270, %swap3A_271], %add3A_269 {strides = array<i32>} : memref<32x768xf32, #tpu.memory_space<vmem>>, vector<32x768xf32>,
      %while3A_273 = arith.constant 0 : i32
      scf.yield %while3A_273 : i32
    }
    %while3A_195 = arith.constant 1 : i32
    %while3A_196 = scf.for %while3A_197 = %while3A_192 to %while3A_188 step %while3A_195 iter_args(%while3A_198 = %while3A_194) -> (i32)  : i32 {
      %add3A_199 = arith.constant 3 : i32
      %add3A_200 = arith.addi %while3A_197, %add3A_199 : i32
      %sub3A_201 = arith.constant 1 : i32
      %sub3A_202 = arith.subi %add3A_200, %sub3A_201 : i32
      %lt3A_203 = arith.cmpi slt, %sub3A_202, %get3A_109 : i32
      %convert_element_type3A_204 = arith.extui %lt3A_203 : i1 to i32
      %cond3A_205 = arith.constant 0 : i32
      %cond3A_206 = arith.cmpi ne, %convert_element_type3A_204, %cond3A_205 : i32
      scf.if %cond3A_206 {
        %rem3A_274 = arith.constant 3 : i32
        %rem3A_275 = arith.remsi %sub3A_202, %rem3A_274 : i32
        %get3A_276 = arith.constant 0 : index
        %get3A_277 = arith.index_cast %sub3A_202 : i32 to index
        %get3A_278 = memref.load %arg9[%get3A_276, %get3A_277] : memref<1x64xi32, #tpu.memory_space<smem>>
        %dma_start3A = tpu.memref_slice %arg15[%rem3A_275] : memref<3x!tpu.dma_semaphore, #tpu.memory_space<semaphore_mem>> -> memref<1x!tpu.dma_semaphore, #tpu.memory_space<semaphore_mem>>
        %dma_start3A_279 = tpu.memref_squeeze %dma_start3A : memref<1x!tpu.dma_semaphore, #tpu.memory_space<semaphore_mem>> -> memref<!tpu.dma_semaphore, #tpu.memory_space<semaphore_mem>>
        %dma_start3A_280 = arith.constant 0 : i32
        %dma_start3A_281 = arith.constant 0 : i32
        %dma_start3A_282 = tpu.memref_slice %arg11[%rem3A_275, %dma_start3A_280, %dma_start3A_281] : memref<3x1536x768xf32, #tpu.memory_space<vmem>> -> memref<1x1536x768xf32, #tpu.memory_space<vmem>>
        %dma_start3A_283 = arith.constant 0 : i32
        %dma_start3A_284 = arith.constant 0 : i32
        %dma_start3A_285 = tpu.memref_slice %arg3[%get3A_278, %dma_start3A_283, %dma_start3A_284] : memref<64x1536x768xf32, #tpu.memory_space<any>> -> memref<1x1536x768xf32, #tpu.memory_space<any>>
        tpu.enqueue_dma source(%dma_start3A_285 : memref<1x1536x768xf32, #tpu.memory_space<any>>) target(%dma_start3A_282 : memref<1x1536x768xf32, #tpu.memory_space<vmem>>) target_semaphore(%dma_start3A_279 : memref<!tpu.dma_semaphore, #tpu.memory_space<semaphore_mem>>)
        %dma_start3A_286 = tpu.memref_slice %arg16[%rem3A_275] : memref<3x!tpu.dma_semaphore, #tpu.memory_space<semaphore_mem>> -> memref<1x!tpu.dma_semaphore, #tpu.memory_space<semaphore_mem>>
        %dma_start3A_287 = tpu.memref_squeeze %dma_start3A_286 : memref<1x!tpu.dma_semaphore, #tpu.memory_space<semaphore_mem>> -> memref<!tpu.dma_semaphore, #tpu.memory_space<semaphore_mem>>
        %dma_start3A_288 = arith.constant 0 : i32
        %dma_start3A_289 = arith.constant 0 : i32
        %dma_start3A_290 = tpu.memref_slice %arg12[%rem3A_275, %dma_start3A_288, %dma_start3A_289] : memref<3x768x768xf32, #tpu.memory_space<vmem>> -> memref<1x768x768xf32, #tpu.memory_space<vmem>>
        %dma_start3A_291 = arith.constant 0 : i32
        %dma_start3A_292 = arith.constant 0 : i32
        %dma_start3A_293 = tpu.memref_slice %arg4[%get3A_278, %dma_start3A_291, %dma_start3A_292] : memref<64x768x768xf32, #tpu.memory_space<any>> -> memref<1x768x768xf32, #tpu.memory_space<any>>
        tpu.enqueue_dma source(%dma_start3A_293 : memref<1x768x768xf32, #tpu.memory_space<any>>) target(%dma_start3A_290 : memref<1x768x768xf32, #tpu.memory_space<vmem>>) target_semaphore(%dma_start3A_287 : memref<!tpu.dma_semaphore, #tpu.memory_space<semaphore_mem>>)
      } else {
      }
      %rem3A = arith.constant 3 : i32
      %rem3A_207 = arith.remsi %while3A_197, %rem3A : i32
      %get3A_208 = arith.constant 0 : index
      %get3A_209 = arith.index_cast %while3A_197 : i32 to index
      %get3A_210 = memref.load %arg9[%get3A_208, %get3A_209] : memref<1x64xi32, #tpu.memory_space<smem>>
      %dma_wait3A = tpu.memref_slice %arg15[%rem3A_207] : memref<3x!tpu.dma_semaphore, #tpu.memory_space<semaphore_mem>> -> memref<1x!tpu.dma_semaphore, #tpu.memory_space<semaphore_mem>>
      %dma_wait3A_211 = tpu.memref_squeeze %dma_wait3A : memref<1x!tpu.dma_semaphore, #tpu.memory_space<semaphore_mem>> -> memref<!tpu.dma_semaphore, #tpu.memory_space<semaphore_mem>>
      %dma_wait3A_212 = arith.constant 0 : i32
      %dma_wait3A_213 = arith.constant 0 : i32
      %dma_wait3A_214 = tpu.memref_slice %arg11[%rem3A_207, %dma_wait3A_212, %dma_wait3A_213] : memref<3x1536x768xf32, #tpu.memory_space<vmem>> -> memref<1x1536x768xf32, #tpu.memory_space<vmem>>
      %dma_wait3A_215 = arith.constant 0 : i32
      %dma_wait3A_216 = arith.constant 0 : i32
      %dma_wait3A_217 = tpu.memref_slice %arg3[%get3A_210, %dma_wait3A_215, %dma_wait3A_216] : memref<64x1536x768xf32, #tpu.memory_space<any>> -> memref<1x1536x768xf32, #tpu.memory_space<any>>
      tpu.wait_dma2 semaphore(%dma_wait3A_211 : memref<!tpu.dma_semaphore, #tpu.memory_space<semaphore_mem>>) src(%dma_wait3A_217 : memref<1x1536x768xf32, #tpu.memory_space<any>>) dst(%dma_wait3A_214 : memref<1x1536x768xf32, #tpu.memory_space<vmem>>)
      %dma_wait3A_218 = tpu.memref_slice %arg16[%rem3A_207] : memref<3x!tpu.dma_semaphore, #tpu.memory_space<semaphore_mem>> -> memref<1x!tpu.dma_semaphore, #tpu.memory_space<semaphore_mem>>
      %dma_wait3A_219 = tpu.memref_squeeze %dma_wait3A_218 : memref<1x!tpu.dma_semaphore, #tpu.memory_space<semaphore_mem>> -> memref<!tpu.dma_semaphore, #tpu.memory_space<semaphore_mem>>
      %dma_wait3A_220 = arith.constant 0 : i32
      %dma_wait3A_221 = arith.constant 0 : i32
      %dma_wait3A_222 = tpu.memref_slice %arg12[%rem3A_207, %dma_wait3A_220, %dma_wait3A_221] : memref<3x768x768xf32, #tpu.memory_space<vmem>> -> memref<1x768x768xf32, #tpu.memory_space<vmem>>
      %dma_wait3A_223 = arith.constant 0 : i32
      %dma_wait3A_224 = arith.constant 0 : i32
      %dma_wait3A_225 = tpu.memref_slice %arg4[%get3A_210, %dma_wait3A_223, %dma_wait3A_224] : memref<64x768x768xf32, #tpu.memory_space<any>> -> memref<1x768x768xf32, #tpu.memory_space<any>>
      tpu.wait_dma2 semaphore(%dma_wait3A_219 : memref<!tpu.dma_semaphore, #tpu.memory_space<semaphore_mem>>) src(%dma_wait3A_225 : memref<1x768x768xf32, #tpu.memory_space<any>>) dst(%dma_wait3A_222 : memref<1x768x768xf32, #tpu.memory_space<vmem>>)
      %get3A_226 = arith.index_cast %rem3A_207 : i32 to index
      %get3A_227 = arith.constant 0 : index
      %get3A_228 = arith.constant 0 : index
      %get3A_229 = vector.load %arg11[%get3A_226, %get3A_227, %get3A_228] : memref<3x1536x768xf32, #tpu.memory_space<vmem>>, vector<1x1536x768xf32>
      %get3A_230 = vector.shape_cast %get3A_229 : vector<1x1536x768xf32> to vector<1536x768xf32>
      %get3A_231 = arith.constant 0 : index
      %get3A_232 = arith.constant 0 : index
      %get3A_233 = vector.load %arg2[%get3A_231, %get3A_232] : memref<32x768xf32, #tpu.memory_space<vmem>>, vector<32x768xf32>
      %dot_general3A = arith.constant dense<0.000000e+00> : vector<32x1536xf32>
      %dot_general3A_234 = tpu.matmul %get3A_233, %get3A_230, %dot_general3A {dimension_numbers = #tpu.dot_dimension_numbers<[1], [1], [0], [0], [0, 0, 1, 0], [], []>, transpose_lhs_hint = false} : vector<32x768xf32>, vector<1536x768xf32>, vector<32x1536xf32> -> vector<32x1536xf32>
      %slice3A_235 = vector.extract_strided_slice %dot_general3A_234 {offsets = [0, 0], sizes = [32, 768], strides = [1, 1]} : vector<32x1536xf32> to vector<32x768xf32>
      %slice3A_236 = vector.extract_strided_slice %dot_general3A_234 {offsets = [0, 768], sizes = [32, 768], strides = [1, 1]} : vector<32x1536xf32> to vector<32x768xf32>
      %logistic3A = arith.negf %slice3A_235 : vector<32x768xf32>
      %logistic3A_237 = math.exp %logistic3A : vector<32x768xf32>
      %logistic3A_238 = arith.constant 1.000000e+00 : f32
      %logistic3A_239 = vector.broadcast %logistic3A_238 : f32 to vector<32x768xf32>
      %logistic3A_240 = arith.addf %logistic3A_239, %logistic3A_237 : vector<32x768xf32>
      %logistic3A_241 = arith.divf %logistic3A_239, %logistic3A_240 : vector<32x768xf32>
      %mul3A = arith.mulf %slice3A_235, %logistic3A_241 : vector<32x768xf32>
      %mul3A_242 = arith.mulf %mul3A, %slice3A_236 : vector<32x768xf32>
      %get3A_243 = arith.index_cast %rem3A_207 : i32 to index
      %get3A_244 = arith.constant 0 : index
      %get3A_245 = arith.constant 0 : index
      %get3A_246 = vector.load %arg12[%get3A_243, %get3A_244, %get3A_245] : memref<3x768x768xf32, #tpu.memory_space<vmem>>, vector<1x768x768xf32>
      %get3A_247 = vector.shape_cast %get3A_246 : vector<1x768x768xf32> to vector<768x768xf32>
      %dot_general3A_248 = arith.constant dense<0.000000e+00> : vector<32x768xf32>
      %dot_general3A_249 = tpu.matmul %mul3A_242, %get3A_247, %dot_general3A_248 {dimension_numbers = #tpu.dot_dimension_numbers<[1], [1], [0], [0], [0, 0, 1, 0], [], []>, transpose_lhs_hint = false} : vector<32x768xf32>, vector<768x768xf32>, vector<32x768xf32> -> vector<32x768xf32>
      %get3A_250 = arith.index_cast %get3A_210 : i32 to index
      %get3A_251 = arith.constant 0 : index
      %get3A_252 = vector.load %arg6[%get3A_250, %get3A_251] : memref<64x32xf32, #tpu.memory_space<vmem>>, vector<1x32xf32>
      %iota3A_253 = tpu.iota {dimensions = array<i32: 0>} : vector<32x32xi32>
      %iota3A_254 = tpu.iota {dimensions = array<i32: 1>} : vector<32x32xi32>
      %broadcast_in_dim3A_255 = vector.shape_cast %get3A_252 : vector<1x32xf32> to vector<1x32xf32>
      %broadcast_in_dim3A_256 = vector.broadcast %broadcast_in_dim3A_255 : vector<1x32xf32> to vector<32x32xf32>
      %eq3A_257 = arith.cmpi eq, %iota3A_253, %iota3A_254 : vector<32x32xi32>
      %broadcast_in_dim3A_258 = arith.constant 0.000000e+00 : f32
      %broadcast_in_dim3A_259 = vector.broadcast %broadcast_in_dim3A_258 : f32 to vector<32x32xf32>
      %select_n3A_260 = arith.select %eq3A_257, %broadcast_in_dim3A_256, %broadcast_in_dim3A_259 : vector<32x32xi1>, vector<32x32xf32>
      %reduce_sum3A_261 = arith.constant dense<0.000000e+00> : vector<32xf32>
      %reduce_sum3A_262 = vector.multi_reduction <add>, %select_n3A_260, %reduce_sum3A_261 [1] : vector<32x32xf32> to vector<32xf32>
      %broadcast_in_dim3A_263 = vector.shape_cast %reduce_sum3A_262 : vector<32xf32> to vector<32x1xf32>
      %get3A_264 = arith.constant 0 : index
      %get3A_265 = arith.constant 0 : index
      %get3A_266 = vector.load %arg5[%get3A_264, %get3A_265] : memref<32x768xf32, #tpu.memory_space<vmem>>, vector<32x768xf32>
      %mul3A_267 = vector.broadcast %broadcast_in_dim3A_263 : vector<32x1xf32> to vector<32x768xf32>
      %mul3A_268 = arith.mulf %mul3A_267, %dot_general3A_249 : vector<32x768xf32>
      %add3A_269 = arith.addf %get3A_266, %mul3A_268 : vector<32x768xf32>
      %swap3A_270 = arith.constant 0 : index
      %swap3A_271 = arith.constant 0 : index
      %swap3A_272 = vector.load %arg5[%swap3A_270, %swap3A_271] : memref<32x768xf32, #tpu.memory_space<vmem>>, vector<32x768xf32>
      tpu.vector_store %arg5[%swap3A_270, %swap3A_271], %add3A_269 {strides = array<i32>} : memref<32x768xf32, #tpu.memory_space<vmem>>, vector<32x768xf32>,
      %while3A_273 = arith.constant 0 : i32
      scf.yield %while3A_273 : i32
    }
    return
  }
}

</mosaic_0001>

<sc_bundles>
// kernel: _fused_moe.4.cloned.1.call-start
scs
__scs_entry_jumppad:
0x0: {  	(pc) =	sbr.rel $0x88, $3  }
0x1: {  	(tag) =	ssettag $0x0;
	lr =	simm.s32 $0x1  }
0x2: {  	[smem:$0x3F9D] =	sst lr;
	_ =	strace $0xD0000000  }
0x3: {  	_ = 	snop  }
0x4: {  	_ = 	snop  }
0x5: {  	_ = 	snop  }
0x6: {  	_ = 	snop  }
0x7: {  	_ = 	snop  }
__scs_overlays_trampoline_lowered:
0x8: {  	[smem:$0x3FAC] =	sst s0  }
0x9: {  	[smem:$0x3FAD] =	sst s1  }
0xa: {  	[smem:$0x3FAE] =	sst s2  }
0xb: {  	[smem:$0x3FAF] =	sst s3  }
0xc: {  	[smem:$0x3FB0] =	sst s4  }
0xd: {  	[smem:$0x3FB1] =	sst s5  }
0xe: {  	[smem:$0x3FB2] =	sst s6  }
0xf: {  	[smem:$0x3FB3] =	sst s7  }
0x10: {  	[smem:$0x3FB4] =	sst s8  }
0x11: {  	[smem:$0x3FB5] =	sst s9;
	s0 =	simm.s32 @!p0 $0x0  }
0x12: {  	s1 =	sld [smem:$0x3F9B];
	s0 =	simm.s32 @p0 $0x1  }
0x13: {  	[smem:$0x3FB6] =	sst s0;
	s0 =	simm.s32 @!p1 $0x0  }
0x14: {  	s2 =	sld [smem:$0x3F9A];
	s0 =	simm.s32 @p1 $0x1  }
0x15: {  	[smem:$0x3FB7] =	sst s0;
	s0 =	simm.s32 @!p2 $0x0  }
0x16: {  	s3 =	sld [smem:$0x3FDB];
	s0 =	simm.s32 @p2 $0x1  }
0x17: {  	s4 =	simm.s32 $0x1BF5;
	[smem:$0x3FB9] =	sst s0  }
0x18: {  	s0 =	sld [smem:$0x3F9C];
	_ =	swait.ge [sflag:s4], $0x0  }
0x19: {  	s7 =	sld [smem:$0x3F9D]  }
0x1a: {  	s8 =	sadd.s32 $0xFFFFE003, lr  }
0x1b: {  	s9 =	sadd.s32 $0xFFFFFEF7, lr;
	s5 =	simm.s32 $0xFFFFFFFF;
	p2 =	slt.u32 s8, $0xFFFFF086  }
0x1c: {  	p1 =	slt.u32 s9, $0xF7A;
	s5 =	simm.s32 @!p2 $0x0  }
0x1d: {  	s5 =	simm.s32 @p1 $0x1;
	p0 =	seq.s32 s7, s2  }
0x1e: {  	s7 =	smul.u32 @!p0 $0xF7A, s2;
	p2 =	seq.s32 @!p0 s5, $0x0  }
0x1f: {  	s9 =	smul.u32 $0xF7A, s1;
	s8 =	simm.s32 @!p0 $0x1BF5;
	p2 =	por !p2, p0  }
0x20: {  	[sflag:s8] =	ssyncset.s32 @!p0 $0xFFFFF086;
	s6 =	sadd.s32 @!p0 s3, s7;
	s7 =	simm.s32 @!p0 $0x108  }
0x21: {  	s3 =	sadd.s32 s3, s9;
	s6 =	sadd.s32 @!p0 $0x88, s6;
	s7 =	simm.s32 @p2 $0x1082  }
0x22: {  	[simem:s7], [sflag:s8] =	dma.local @!p0 [hbm:s6], $0xF7A  }
0x23: {  	s9 =	sor.u32 $0xD0000000, s2;
	s6 =	simm.s32 $0x108;
	_ =	swait.ge @!p0 [sflag:s8], $0x0  }
0x24: {  	s3 =	sadd.s32 $0x88, s3;
	s6 =	simm.s32 @!p1 $0x1082;
	[sflag:s4] =	ssyncset.s32 $0xFFFFF086  }
0x25: {  	[simem:s6], [sflag:s4] =	dma.local [hbm:s3], $0xF7A  }
0x26: {  	[smem:$0x3F9D] =	sst s1;
	(tag) =	ssettag s2;
	_ =	strace s9  }
0x27: {  	s1 =	sld [smem:$0x3FAD]  }
0x28: {  	s2 =	sld [smem:$0x3FAE]  }
0x29: {  	s4 =	sld [smem:$0x3FB0]  }
0x2a: {  	p0 =	seq.s32 s5, $0x0;
	s5 =	sld [smem:$0x3FB1]  }
0x2b: {  	s6 =	sld [smem:$0x3FB2]  }
0x2c: {  	s7 =	sld [smem:$0x3FB3]  }
0x2d: {  	s3 =	simm.s32 $0x108;
	s8 =	sld [smem:$0x3FB4]  }
0x2e: {  	s3 =	simm.s32 @!p0 $0x1082;
	s9 =	sld [smem:$0x3FB5]  }
0x2f: {  	lr =	sadd.s32 s0, s3;
	s0 =	sld [smem:$0x3FAC]  }
0x30: {  	s3 =	sld [smem:$0x3FAF]  }
0x31: {  	[smem:$0x3FB8] =	sst s10  }
0x32: {  	s10 =	sld [smem:$0x3FB6];
	_ =	sdelay $0x3  }
0x33: {  	p0 =	seq.s32 s10, $0x1;
	s10 =	sld [smem:$0x3FB8];
	_ =	sdelay $0x3  }
0x34: {  	[smem:$0x3FB8] =	sst s10  }
0x35: {  	s10 =	sld [smem:$0x3FB7];
	_ =	sdelay $0x3  }
0x36: {  	p1 =	seq.s32 s10, $0x1;
	s10 =	sld [smem:$0x3FB8];
	_ =	sdelay $0x3  }
0x37: {  	[smem:$0x3FB8] =	sst s10  }
0x38: {  	s10 =	sld [smem:$0x3FB9]  }
0x39: {  	_ = 	snop;
	(pc) =	sbr.ind lr, $3  }
0x3a: {  	_ = 	snop  }
0x3b: {  	_ = 	snop  }
0x3c: {  	p2 =	seq.s32 s10, $0x1;
	s10 =	sld [smem:$0x3FB8]  }
0x3d: {  	_ =	shalt  }
0x3e: {  	_ =	shalt  }
0x3f: {  	_ =	shalt  }
0x40: {  	_ =	shalt  }
0x41: {  	_ =	shalt  }
0x42: {  	_ =	shalt  }
0x43: {  	_ =	shalt  }
0x44: {  	_ =	shalt  }
0x45: {  	_ =	shalt  }
0x46: {  	_ =	shalt  }
0x47: {  	_ =	shalt  }
0x48: {  	_ =	shalt  }
0x49: {  	_ =	shalt  }
0x4a: {  	_ =	shalt  }
0x4b: {  	_ =	shalt  }
0x4c: {  	_ =	shalt  }
0x4d: {  	_ =	shalt  }
0x4e: {  	_ =	shalt  }
0x4f: {  	_ =	shalt  }
0x50: {  	_ =	shalt  }
0x51: {  	_ =	shalt  }
0x52: {  	_ =	shalt  }
0x53: {  	_ =	shalt  }
0x54: {  	_ =	shalt  }
0x55: {  	_ =	shalt  }
0x56: {  	_ =	shalt  }
0x57: {  	_ =	shalt  }
0x58: {  	_ =	shalt  }
0x59: {  	_ =	shalt  }
0x5a: {  	_ =	shalt  }
0x5b: {  	_ =	shalt  }
0x5c: {  	_ =	shalt  }
0x5d: {  	_ =	shalt  }
0x5e: {  	_ =	shalt  }
0x5f: {  	_ =	shalt  }
0x60: {  	_ =	shalt  }
0x61: {  	_ =	shalt  }
0x62: {  	_ =	shalt  }
0x63: {  	_ =	shalt  }
0x64: {  	_ =	shalt  }
0x65: {  	_ =	shalt  }
0x66: {  	_ =	shalt  }
0x67: {  	_ =	shalt  }
0x68: {  	_ =	shalt  }
0x69: {  	_ =	shalt  }
0x6a: {  	_ =	shalt  }
0x6b: {  	_ =	shalt  }
0x6c: {  	_ =	shalt  }
0x6d: {  	_ =	shalt  }
0x6e: {  	_ =	shalt  }
0x6f: {  	_ =	shalt  }
0x70: {  	_ =	shalt  }
0x71: {  	_ =	shalt  }
0x72: {  	_ =	shalt  }
0x73: {  	_ =	shalt  }
0x74: {  	_ =	shalt  }
0x75: {  	_ =	shalt  }
0x76: {  	_ =	shalt  }
0x77: {  	_ =	shalt  }
0x78: {  	_ =	shalt  }
0x79: {  	_ =	shalt  }
0x7a: {  	_ =	shalt  }
0x7b: {  	_ =	shalt  }
0x7c: {  	_ =	shalt  }
0x7d: {  	_ =	shalt  }
0x7e: {  	_ =	shalt  }
0x7f: {  	_ =	shalt  }
0x80: {  	_ =	shalt  }
0x81: {  	_ =	shalt  }
0x82: {  	_ =	shalt  }
0x83: {  	_ =	shalt  }
0x84: {  	_ =	shalt  }
0x85: {  	_ =	shalt  }
0x86: {  	_ =	shalt  }
0x87: {  	_ =	shalt  }
.Lfunc_end0:
.L_simem_size_0:
called_computation_lowered:
.L_overlay_start_0:
0x88: {  	s2 =	sld [smem:$0x3FD9]  }
0x89: {  	s3 =	sld [smem:$0x3FFE];
	_ =	sdelay $0x1  }
0x8a: {  	s1 =	srdreg.scid  }
0x8b: {  	s0 =	sand.u32 $0x1, s1  }
0x8c: {  	s17 =	sshll.u32 s0, $0xA;
	s2 =	sadd.s32 s3, s2  }
0x8d: {  	s2 =	sadd.s32 s2, s17  }
0x8e: {  	[smem:$0x3FC4] =	sst s2  }
0x8f: {  	_ = 	snop  }
0x90: {  	s2 =	sld [smem:$0x3FC8];
	(tm) =	ssettm $0x1  }
0x91: {  	s18 =	sld [smem:$0x3FFB];
	_ =	sdelay $0x3  }
0x92: {  	_ =	strace s18  }
0x93: {  	s3 =	sld [smem:$0x3FFC];
	_ =	sdelay $0x3  }
0x94: {  	_ =	strace s3  }
0x95: {  	s3 =	sld [smem:$0x3FFD];
	_ =	sdelay $0x3  }
0x96: {  	_ =	strace s3  }
0x97: {  	_ =	strace $0x8FFFFFFF  }
0x98: {  	s19 =	sld [smem:$0x3FDB];
	_ =	sdelay $0x1  }
0x99: {  	s4 =	simm.s32 $_scs_section_size  }
0x9a: {  	s5 =	simm.s32 $_size__tile_overlayer_lowered;
	s6 =	simm.s32 $_tile_overlayer_lowered  }
0x9b: {  	s22 =	simm.s32 $0x1BFF;
	s21 =	sshll.u32 s6, $0x1;
	s3 =	sadd.s32 s4, s19  }
0x9c: {  	s7 =	simm.s32 $0x0;
	s20 =	sshll.u32 s5, $0x1;
	s5 =	sadd.s32 s21, s3  }
0x9d: {  	[timem:s7], [sflag:s22] =	dma.local [hbm:s5], s20  }
0x9e: {  	_ =	swait.ge [sflag:s22], s20  }
0x9f: {  	s4 =	ssub.s32 $0x0, s20;
	[sflag:s22] =	ssyncset.done $0x0  }
0xa0: {  	[sflag:s22] =	ssyncadd.s32 s4;
	_ =	sdelay $0x1  }
0xa1: {  	s23 =	simm.s32 $0x1B8B  }
0xa2: {  	_ =	swait.ge [sflag:s23], $0x1  }
0xa3: {  	[sflag:s23] =	ssyncset.done $0x0  }
0xa4: {  	s25 =	simm.s32 $0x1B8E;
	s24 =	sld [smem:$0x3FFE];
	[sflag:s23] =	ssyncadd.s32 $0xFFFFFFFF  }
0xa5: {  	s26 =	simm.s32 $execute0_lowered;
	[smem:$0x3FD2] =	sst s25  }
0xa6: {  	s5 =	sshll.u32 s26, $0x1;
	_ =	strace $0x80000046;
	[dreg:$0x1] =	wrdreg $0xFFFFFFFF  }
0xa7: {  	s28 =	simm.s32 $_size_execute0_lowered;
	s3 =	sadd.s32 s3, s5;
	[dreg:$0x0] =	wrdreg $0x0  }
0xa8: {  	s5 =	sshll.u32 s28, $0x1;
	[dreg:$0x2] =	wrdreg s3  }
0xa9: {  	[dreg:$0x3] =	wrdreg s5  }
0xaa: {  	[dreg:$0x4] =	wrdreg $0xC0  }
0xab: {  	_ =	task [dreg:s7], $0x5FFFF  }
0xac: {  	[dreg:$0x1] =	wrdreg $0xFFFFFFFF  }
0xad: {  	[dreg:$0x0] =	wrdreg $0x60  }
0xae: {  	[dreg:$0x2] =	wrdreg s2  }
0xaf: {  	[dreg:$0x3] =	wrdreg s24  }
0xb0: {  	[dreg:$0x4] =	wrdreg $0x9  }
0xb1: {  	_ =	task.clear_ibuf [dreg:s7], $0x5FFFF;
	_ =	strace $0x90000046  }
0xb2: {  	s29 =	simm.s32 $0x9;
	_ =	strace $0x80000048  }
0xb3: {  	_ =	swait.ge [sflag:s29], $0x1  }
0xb4: {  	[sflag:s29] =	ssyncadd.s32 $0xFFFFFFFF  }
0xb5: {  	_ =	strace $0x90000048  }
0xb6: {  	_ =	sfence  }
0xb7: {  	s30 =	sld [smem:$0x0];
	_ =	sdelay $0x2  }
0xb8: {  	s31 =	sshll.u32 s1, $0xD;
	s1 =	sshrl.u32 s1, $0x2  }
0xb9: {  	s3 =	sand.u32 $0x4000, s31;
	s1 =	sadd.s32 s1, s30  }
0xba: {  	s0 =	sor.u32 s3, s0;
	s1 =	sshll.u32 s1, $0x11  }
0xbb: {  	s0 =	sor.u32 s1, s0  }
0xbc: {  	s0 =	sadd.s32 $0x8F2B, s0  }
0xbd: {  	[sflag:s0] =	ssyncadd.remote.s32 $0x1  }
0xbe: {  	_ =	sfence.sel $0xFFFF  }
0xbf: {  	[dreg:$0x0] =	wrdreg $0xFFFFFFFF;
	(pc) =	sbr.abs _section_cstart, $3  }
0xc0: {  	[dreg:$0x1] =	wrdreg $0xFFFFFFFF  }
0xc1: {  	_ =	task.clear_ibuf [dreg:s7], $0x2FFFF;
	_ =	strace $0x9FFFFFFF  }
0xc2: {  	(tm) =	ssettm $0x7FFFFFFF  }
0xc3: {  	_ =	shalt  }
tec
execute0_lowered:
.L_overlay_start_1:
0x0: {  	(tag) =	ssettag $0x1  }
0x1: {  	s3 =	rddreg [dreg:$0x0]  }
0x2: {  	s5 =	rddreg [dreg:$0x1];
	s2 =	srdreg.scid  }
0x3: {  	s0 =	rddreg [dreg:$0x2];
	s1 =	stileid.u32;
	s6 =	sand.u32 $0x1, s2  }
0x4: {  	s2 =	simm.s32 $0x0;
	s4 =	sshll.u32 s1, $0x5;
	s7 =	sshll.u32 s6, $0x4  }
0x5: {  	[smem:$0x7FF] =	sst s2;
	s7 =	sor.u32 s7, s4  }
0x6: {  	_ =	strace $0x80000047;
	s4 =	sadd.s32 s3, s7;
	s3 =	simm.s32 $0x1  }
0x7: {  	[tilespmem:s2], [sflag:$0x1] =	stream.linear.gather [hbm4b:s4+s2], $0x80, $0x38;
	[tilespmem:$0x180] =	vst v63  }
0x8: {  	_ =	swait.ge [sflag:s3], $0x80  }
0x9: {  	[sflag:s3] =	ssyncset.done $0x0  }
0xa: {  	[sflag:s3] =	ssyncadd.s32 $0xFFFFFF80  }
0xb: {  	v3 =	vld [tilespmem:$0x0]  }
0xc: {  	v4 =	vld [tilespmem:$0x10];
	_ =	sdelay $0x2  }
0xd: {  	v5 =	vld [tilespmem:$0x20];
	_ =	sdelay $0x1  }
0xe: {  	v0 =	vlaneseq.u32;
	vm0 =	vge.f32 v3, v4  }
0xf: {  	v1 =	vor.u32 $0x10, v0;
	v2 =	vor.u32 $0x20, v0;
	v6 =	vsel vm0, v4, v3  }
0x10: {  	v8 =	vld [tilespmem:$0x30];
	v7 =	vsel vm0, v1, v0;
	v4 =	vsel vm0, v3, v4;
	v9 =	vsel vm0, v0, v1  }
0x11: {  	vm1 =	vlt.f32 v6, $-Inf;
	vm2 =	vgt.f32 v6, $-Inf;
	vm3 =	vge.f32 v4, v5  }
0x12: {  	v3 =	vor.u32 $0x30, v0;
	vm8 =	vmor vm2, vm1;
	v10 =	vsel vm3, v5, v4  }
0x13: {  	v11 =	vsel vm3, v2, v9;
	v6 =	vnsel vm8, $0xFF800000, v6;
	v7 =	vnsel vm8, $0x0, v7  }
0x14: {  	v4 =	vsel vm3, v4, v5;
	vm9 =	veq.f32 v10, v6;
	vm10 =	vlt.u32 v11, v7  }
0x15: {  	vm12 =	vge.f32 v4, v8;
	vm11 =	vgt.f32 v10, v6;
	vm0 =	vmand vm9, vm10  }
0x16: {  	v5 =	vsel vm3, v9, v2;
	v62 =	vsel vm12, v8, v4;
	vm0 =	vmor vm11, vm0  }
0x17: {  	v63 =	vsel vm12, v3, v5;
	v6 =	vsel vm0, v10, v6;
	v7 =	vsel vm0, v11, v7  }
0x18: {  	s6 =	ssub.s32 $0x2, s6;
	vm13 =	veq.f32 v62, v6;
	vm14 =	vlt.u32 v63, v7  }
0x19: {  	s31 =	sshrl.u32 s6, $0x1;
	v4 =	vsel vm12, v4, v8;
	vm15 =	vgt.f32 v62, v6;
	vm0 =	vmand vm13, vm14  }
0x1a: {  	s8 =	ssub.s32 s6, s31;
	v5 =	vsel vm12, v5, v3;
	[tilespmem:$0x80] =	vst v4;
	vm0 =	vmor vm15, vm0  }
0x1b: {  	s9 =	smax.u32 s8, $0x1;
	[tilespmem:$0x100] =	vst v5;
	v4 =	vsel vm0, v62, v6  }
0x1c: {  	s7 =	sadd.s32 s7, s5;
	p0 =	sne.s32 s9, $0x1;
	v5 =	vsel vm0, v63, v7;
	[tilespmem:$0x90] =	vst v4  }
.Ltmp0:
0x1d: {  	s6 =	simm.s32 $0x80;
	s5 =	sadd.s32 $0x800, s7;
	[tilespmem:$0x110] =	vst v5;
	(pc) =	sbr.rel @!p0 .LBB2_2-.Ltmp0, $4  }
0x1e: {  	[hbm4b:s5+s2] =	stream.linear.scatter [tilespmem:s6], [sflag:$0x1], $0x80, $0x38;
	[tilespmem:$0x180] =	vst v63  }
0x1f: {  	_ =	swait.ge [sflag:s3], $0x80  }
0x20: {  	s7 =	sadd.s32 $0xA00, s7;
	[sflag:s3] =	ssyncset.done $0x0  }
0x21: {  	s8 =	simm.s32 $0x100;
	s9 =	sadd.s32 $0xFFFFFFFF, s9;
	[sflag:s3] =	ssyncadd.s32 $0xFFFFFF80  }
.LBB2_1:
0x22: {  	[hbm4b:s7+s2] =	stream.linear.scatter [tilespmem:s8], [sflag:$0x1], $0x80, $0x38;
	[tilespmem:$0x180] =	vst v63  }
0x23: {  	p0 =	sne.s32 s9, $0x1;
	s9 =	sadd.s32 $0xFFFFFFFF, s9;
	_ =	swait.ge [sflag:s3], $0x80  }
0x24: {  	[sflag:s3] =	ssyncset.done $0x0  }
0x25: {  	[sflag:s3] =	ssyncadd.s32 $0xFFFFFF80  }
0x26: {  	[tilespmem:s2], [sflag:$0x1] =	stream.linear.gather [hbm4b:s4+s2], $0x80, $0x38;
	[tilespmem:$0x180] =	vst v63  }
0x27: {  	_ =	swait.ge [sflag:s3], $0x80  }
0x28: {  	[sflag:s3] =	ssyncset.done $0x0  }
0x29: {  	[sflag:s3] =	ssyncadd.s32 $0xFFFFFF80  }
0x2a: {  	v4 =	vld [tilespmem:$0x0]  }
0x2b: {  	v5 =	vld [tilespmem:$0x10];
	_ =	sdelay $0x1  }
0x2c: {  	v6 =	vld [tilespmem:$0x20];
	_ =	sdelay $0x2  }
0x2d: {  	vm0 =	vge.f32 v4, v5  }
0x2e: {  	v7 =	vsel vm0, v5, v4;
	v8 =	vsel vm0, v1, v0;
	v4 =	vsel vm0, v4, v5  }
0x2f: {  	vm1 =	vlt.f32 v7, $-Inf;
	vm2 =	vgt.f32 v7, $-Inf;
	vm3 =	vge.f32 v4, v6;
	v5 =	vld [tilespmem:$0x30]  }
0x30: {  	v9 =	vsel vm0, v0, v1;
	vm0 =	vmor vm2, vm1;
	v10 =	vsel vm3, v6, v4  }
0x31: {  	v11 =	vsel vm3, v2, v9;
	v7 =	vnsel vm0, $0xFF800000, v7;
	v8 =	vnsel vm0, $0x0, v8  }
0x32: {  	vm0 =	vgt.f32 v10, v7;
	vm1 =	veq.f32 v10, v7;
	vm2 =	vlt.u32 v11, v8  }
0x33: {  	v4 =	vsel vm3, v4, v6;
	v6 =	vsel vm3, v9, v2;
	vm1 =	vmand vm1, vm2  }
0x34: {  	vm0 =	vmor vm0, vm1;
	vm1 =	vge.f32 v4, v5  }
0x35: {  	v7 =	vsel vm0, v10, v7;
	v8 =	vsel vm0, v11, v8;
	v9 =	vsel vm1, v5, v4  }
0x36: {  	v10 =	vsel vm1, v3, v6;
	v4 =	vsel vm1, v4, v5;
	vm0 =	veq.f32 v9, v7  }
0x37: {  	v5 =	vsel vm1, v6, v3;
	vm1 =	vgt.f32 v9, v7;
	vm2 =	vlt.u32 v10, v8;
	[tilespmem:$0x80] =	vst v4  }
0x38: {  	vm0 =	vmand vm0, vm2;
	[tilespmem:$0x100] =	vst v5  }
0x39: {  	vm0 =	vmor vm1, vm0  }
0x3a: {  	v4 =	vsel vm0, v9, v7;
	v5 =	vsel vm0, v10, v8  }
0x3b: {  	[tilespmem:$0x90] =	vst v4  }
.Ltmp1:
0x3c: {  	[tilespmem:$0x110] =	vst v5;
	(pc) =	sbr.rel @p0 .LBB2_1-.Ltmp1, $4  }
0x3d: {  	[hbm4b:s5+s2] =	stream.linear.scatter [tilespmem:s6], [sflag:$0x1], $0x80, $0x38;
	[tilespmem:$0x180] =	vst v63  }
0x3e: {  	_ =	swait.ge [sflag:s3], $0x80  }
0x3f: {  	[sflag:s3] =	ssyncset.done $0x0  }
0x40: {  	[sflag:s3] =	ssyncadd.s32 $0xFFFFFF80  }
.LBB2_2:
0x41: {  	[hbm4b:s7+s2] =	stream.linear.scatter [tilespmem:s8], [sflag:$0x1], $0x80, $0x38;
	[tilespmem:$0x180] =	vst v63  }
0x42: {  	_ =	swait.ge [sflag:s3], $0x80  }
0x43: {  	[sflag:s3] =	ssyncset.done $0x0  }
0x44: {  	[sflag:s3] =	ssyncadd.s32 $0xFFFFFF80  }
0x45: {  	_ =	sfence.sel $0x180000  }
0x46: {  	[bflag:$0x0] =	sbarrier.arrive $0xFFFF  }
0x47: {  	p0 =	sne.s32 s1, $0x0;
	_ =	strace $0x90000047  }
0x48: {  	s0 =	sadd.s32 @!p0 $0x100000, s0;
	[bflag:$0x2] =	sbarrier.arrive $0xFFFF  }
0x49: {  	[sflag:s0] =	ssyncadd.tile.s32 @!p0 $0x1;
	_ =	shalt  }
.Lfunc_end2:
_tile_overlayer_lowered:
.L_overlay_start_2:
0x4a: {  	(tag) =	ssettag $0x2  }
0x4b: {  	s0 =	rddreg [dreg:$0x0];
	s2 =	stileid.u32  }
0x4c: {  	s1 =	rddreg [dreg:$0x1];
	p0 =	sne.s32 s2, $0x0  }
0x4d: {  	s3 =	rddreg [dreg:$0x2];
	[bflag:$0x3] =	sbarrier.arrive $0xFFFF;
	s2 =	simm.s32 @!p0 $0x1C01  }
0x4e: {  	[timem:s3], [sflag:s2] =	dma.local @!p0 [hbm:s0], s1  }
0x4f: {  	s0 =	simm.s32 @!p0 $0x1  }
0x50: {  	_ =	swait.ge @!p0 [sflag:s0], s1  }
0x51: {  	s1 =	ssub.s32 @!p0 $0x0, s1;
	[sflag:s0] =	ssyncset.done @!p0 $0x0  }
0x52: {  	[sflag:s0] =	ssyncadd.s32 @!p0 s1  }
0x53: {  	[bflag:$0x3] =	sbarrier.arrive $0xFFFF  }
0x54: {  	_ =	shalt  }

</sc_bundles>
